<compile_context>
chip_gen: v7x
topology: tpu7x:2x2x1
jax: 0.10.2.dev20260603
libtpu: 0.0.44.dev20260713+nightly
codegen_flags: <defaults>
</compile_context>

<pallas_src>
import jax
import jax.numpy as jnp
import numpy as np
from jax.experimental import pallas as pl
from jax.experimental.pallas import tpu as pltpu
from jax.experimental.pallas import tpu_sc as plsc

INIT_ALPHA = 0.0
LOSS_WEIGHT = 1.0
FOCAL_GAMMA = 0.0
PENALIZE_RATIO = 0.5
BLOCK_SIZE = (0.1, 1.0, 1.0)
MARGIN = 0.05


def _two_sum(a, b):
    s = a + b
    bb = s - a
    return s, (a - (s - bb)) + (b - bb)


def _split(a):
    c = jnp.float32(4097.0) * a
    h = c - (c - a)
    return h, a - h


def _two_prod(a, b):
    p = a * b
    ah, al = _split(a)
    bh, bl = _split(b)
    return p, ((ah * bh - p) + ah * bl + al * bh) + al * bl


def _ds_add(a, b):
    s, e = _two_sum(a[0], b[0])
    e = e + a[1] + b[1]
    hi = s + e
    return hi, e - (hi - s)


def _ds_mul(a, b):
    p, e = _two_prod(a[0], b[0])
    e = e + a[0] * b[1] + a[1] * b[0]
    hi = p + e
    return hi, e - (hi - p)


def _ds_neg(a):
    return -a[0], -a[1]


def _ds_const(x):
    h = np.float32(x)
    return jnp.float32(h), jnp.float32(np.float64(x) - np.float64(h))


def _select_masks(pred, tgt, block_size):
    np.random.seed(0)
    bounds = []
    for i in range(3):
        lo = jnp.min(pred[:, :, i], axis=1)
        hi = jnp.max(pred[:, :, i], axis=1)
        w = hi - lo
        z = jnp.zeros_like(lo)
        wm = _ds_mul((w, z), _ds_const(MARGIN))
        bounds.append([_ds_add((lo, z), wm), _ds_add((hi, z), _ds_neg(wm))])
    dim_size = [int(1.0 / s) for s in block_size]
    rsel = [np.random.randint(d) for d in dim_size]
    ranges = []
    for p, r in enumerate(rsel):
        span = _ds_add(bounds[p][1], _ds_neg(bounds[p][0]))
        bs = _ds_const(block_size[p])
        _min = _ds_add(_ds_mul(_ds_mul(span, _ds_const(float(r))), bs), bounds[p][0])
        _max = _ds_add(_min, _ds_mul(span, bs))
        ranges.append([_min, _max])

    def indicator(pts):
        ind = jnp.ones(pts.shape[:2], dtype=bool)
        for p in range(3):
            th0, tl0 = ranges[p][0]
            th1, tl1 = ranges[p][1]
            x = pts[:, :, p]
            gt = (x > th0[:, None]) | ((x == th0[:, None]) & (tl0[:, None] < 0))
            lt = (x < th1[:, None]) | ((x == th1[:, None]) & (tl1[:, None] > 0))
            ind = ind & gt & lt
        return ind

    return indicator(pred), indicator(tgt)


_N_SRC = 20000
_G16 = _N_SRC // 16


def _pack_sc_kernel(n_arr, src_hbm, mask_hbm, out_hbm, counts_hbm,
                    vals_v, mask_v, buf_v, cvec_v):
    wid = jax.lax.axis_index("s") * 2 + jax.lax.axis_index("c")
    arr = wid // 3
    coord = wid % 3

    @pl.when(wid < n_arr * 3)
    def _():
        pltpu.sync_copy(src_hbm.at[arr, coord], vals_v)
        pltpu.sync_copy(mask_hbm.at[arr], mask_v)

        def body(i, base):
            off = i * 16
            v = vals_v[pl.ds(off, 16)]
            m = mask_v[pl.ds(off, 16)] != 0
            plsc.store_compressed(buf_v.at[pl.ds(base, 16)], v, mask=m)
            return base + jnp.sum(m.astype(jnp.int32))

        cnt = jax.lax.fori_loop(0, _G16, body, jnp.int32(0), unroll=False)

        @pl.when(coord == 0)
        def _():
            cvec_v[...] = jnp.full((16,), cnt, jnp.int32)
            pltpu.sync_copy(cvec_v, counts_hbm.at[arr])

        n_big = cnt // 512

        def big_body(i, c):
            pltpu.sync_copy(buf_v.at[pl.ds(i * 512, 512)],
                            out_hbm.at[arr, coord, pl.ds(i * 512, 512)])
            return c

        jax.lax.fori_loop(0, n_big, big_body, 0, unroll=False)
        off1 = n_big * 512
        n_mid = (cnt - off1) // 64

        def mid_body(i, c):
            pltpu.sync_copy(buf_v.at[pl.ds(off1 + i * 64, 64)],
                            out_hbm.at[arr, coord, pl.ds(off1 + i * 64, 64)])
            return c

        jax.lax.fori_loop(0, n_mid, mid_body, 0, unroll=False)
        off2 = off1 + n_mid * 64
        n_sm = (cnt - off2 + 7) // 8

        def sm_body(i, c):
            pltpu.sync_copy(buf_v.at[pl.ds(off2 + i * 8, 8)],
                            out_hbm.at[arr, coord, pl.ds(off2 + i * 8, 8)])
            return c

        jax.lax.fori_loop(0, n_sm, sm_body, 0, unroll=False)


def _pack_sc(src, masks):
    import dataclasses
    import functools
    n_arr = src.shape[0]
    cp = pltpu.CompilerParams()
    if "needs_layout_passes" in pltpu.CompilerParams.__dataclass_fields__:
        cp = dataclasses.replace(cp, needs_layout_passes=False)
    mesh = plsc.VectorSubcoreMesh(core_axis_name="c", subcore_axis_name="s",
                                  num_cores=2, num_subcores=16)
    f = pl.kernel(
        functools.partial(_pack_sc_kernel, n_arr),
        out_type=[
            jax.ShapeDtypeStruct((n_arr, 3, N_PAD), jnp.float32),
            jax.ShapeDtypeStruct((n_arr, 16), jnp.int32),
        ],
        mesh=mesh,
        scratch_types=[
            pltpu.VMEM((_N_SRC,), jnp.float32),
            pltpu.VMEM((_N_SRC,), jnp.int32),
            pltpu.VMEM((_N_SRC + 16,), jnp.float32),
            pltpu.VMEM((16,), jnp.int32),
        ],
        compiler_params=cp,
    )
    return f(src, masks)


N_PAD = 20480
TT = 128
PT = 128
ROWS = N_PAD // PT
_INF_BITS = np.int32(0x7F800000)


def _chamfer_kernel(nb, counts_ref, pred_ref, tgt_ref, out_ref, diff_ref,
                    bits_ref, tsan_ref):
    b = pl.program_id(0)
    cnt_p = counts_ref[b, 0]
    cnt_t = counts_ref[b + nb, 0]
    p_tiles = (cnt_p + PT - 1) // PT
    t_tiles = (cnt_t + TT - 1) // TT

    diff_ref[...] = jnp.full((ROWS, PT), jnp.inf, jnp.float32)

    lane_iota = jax.lax.broadcasted_iota(jnp.int32, (TT,), 0)

    def san_body(r, _):
        valid = (r * TT + lane_iota) < cnt_t
        tsan_ref[0, r, :] = jnp.where(valid, tgt_ref[0, 0, pl.ds(r * TT, TT)],
                                      jnp.float32(1e9))
        tsan_ref[1, r, :] = jnp.where(valid, tgt_ref[0, 1, pl.ds(r * TT, TT)],
                                      jnp.float32(1e9))
        tsan_ref[2, r, :] = jnp.where(valid, tgt_ref[0, 2, pl.ds(r * TT, TT)],
                                      jnp.float32(1e9))
        return 0

    jax.lax.fori_loop(0, t_tiles, san_body, 0, unroll=False)

    def p_body(pi, _):
        poff = pi * PT
        px = pred_ref[0, 0, pl.ds(poff, PT)].reshape(PT, 1)
        py = pred_ref[0, 1, pl.ds(poff, PT)].reshape(PT, 1)
        pz = pred_ref[0, 2, pl.ds(poff, PT)].reshape(PT, 1)

        def t_step(ti, acc):
            tx = tsan_ref[0, ti, :].reshape(1, TT)
            ty = tsan_ref[1, ti, :].reshape(1, TT)
            tz = tsan_ref[2, ti, :].reshape(1, TT)
            dx = px - tx
            d = dx * dx
            dy = py - ty
            d = d + dy * dy
            dz = pz - tz
            d = d + dz * dz
            return jnp.minimum(acc, d)

        def t_body2(i, acc):
            return t_step(2 * i + 1, t_step(2 * i, acc))

        acc = jax.lax.fori_loop(
            0, t_tiles // 2, t_body2,
            jnp.full((PT, TT), jnp.inf, jnp.float32), unroll=False)
        acc = jax.lax.cond(t_tiles % 2 == 1,
                           lambda a: t_step(t_tiles - 1, a),
                           lambda a: a, acc)
        diff_ref[pi, :] = jnp.min(acc, axis=1)
        return 0

    jax.lax.fori_loop(0, p_tiles, p_body, 0, unroll=False)

    gidx = (jax.lax.broadcasted_iota(jnp.int32, (ROWS, PT), 0) * PT
            + jax.lax.broadcasted_iota(jnp.int32, (ROWS, PT), 1))
    diff = jnp.where(gidx < cnt_p, diff_ref[...], jnp.inf)
    diff_ref[...] = diff
    bits_ref[...] = jax.lax.bitcast_convert_type(diff, jnp.int32)
    bits = bits_ref[...]

    k = 1 + cnt_p // 2

    def bs_body(_, carry):
        lo, hi = carry
        mid = lo + (hi - lo) // 2
        c = jnp.sum((bits <= mid).astype(jnp.int32))
        ge = c >= k
        new_lo = jnp.where(ge, lo, mid + 1)
        new_hi = jnp.where(ge, mid, hi)
        return new_lo, new_hi

    m_bits, _ = jax.lax.fori_loop(
        0, 32, bs_body, (jnp.int32(0), jnp.int32(_INF_BITS)))

    keep = bits < m_bits
    cnt = jnp.sum(keep.astype(jnp.float32))
    sum_sq = jnp.sum(jnp.where(keep, diff * diff, jnp.float32(0.0)))
    loss_b = sum_sq / (cnt + 1e-12)
    out_ref[0, 0, :] = jnp.full((128,), loss_b, jnp.float32)


def _chamfer_losses(counts16, packed):
    import functools
    B = packed.shape[0] // 2
    grid_spec = pltpu.PrefetchScalarGridSpec(
        num_scalar_prefetch=1,
        grid=(B,),
        in_specs=[
            pl.BlockSpec((1, 3, N_PAD), lambda b, c: (b, 0, 0)),
            pl.BlockSpec((1, 3, N_PAD), lambda b, c: (b + B, 0, 0)),
        ],
        out_specs=pl.BlockSpec((1, 1, 128), lambda b, c: (b, 0, 0)),
        scratch_shapes=[
            pltpu.VMEM((ROWS, PT), jnp.float32),
            pltpu.VMEM((ROWS, PT), jnp.int32),
            pltpu.VMEM((3, ROWS, TT), jnp.float32),
        ],
    )
    out = pl.pallas_call(
        functools.partial(_chamfer_kernel, B),
        grid_spec=grid_spec,
        out_shape=jax.ShapeDtypeStruct((B, 1, 128), jnp.float32),
    )(counts16, packed, packed)
    return out[:, 0, 0]


def kernel(prediction_tensor, target_tensor, alpha):
    ind_pred, ind_tgt = _select_masks(prediction_tensor, target_tensor, BLOCK_SIZE)
    B, N, _ = prediction_tensor.shape
    T = target_tensor.shape[1]
    predT = prediction_tensor.transpose(0, 2, 1)
    tgtT = target_tensor.transpose(0, 2, 1)

    cnt_p_raw = jnp.sum(ind_pred, axis=1)
    cnt_t_raw = jnp.sum(ind_tgt, axis=1)
    maskp_eff = ind_pred & (cnt_p_raw >= 500)[:, None]
    maskt_eff = ind_tgt | (cnt_t_raw < 500)[:, None]
    src = jnp.concatenate([predT, tgtT], axis=0)
    masks = jnp.concatenate([maskp_eff, maskt_eff], axis=0).astype(jnp.int32)

    packed, counts16 = _pack_sc(src, masks)
    lb = _chamfer_losses(counts16, packed)

    loss = jnp.float32(0.0)
    for b in range(B):
        loss = loss + lb[b]
    loss = loss / B
    focal_weight = (jnp.exp(-alpha) * loss) ** FOCAL_GAMMA
    focal_weight = focal_weight / (jnp.sum(focal_weight) + 1e-12)
    loss = focal_weight * (jnp.exp(-alpha) * loss)
    loss = jnp.sum(loss) + alpha
    return LOSS_WEIGHT * loss

# --- scband reference (transcript-rebuilt; emitter-appended) ---
"""Pipeline reference for scband-chamfer-l2-loss-87222195847748 (READ-ONLY COPY).

The authoritative reference and input builder live on the scoring server;
editing this copy changes nothing except your own understanding.
"""

import jax, jax.numpy as jnp
import numpy as np

INIT_ALPHA = 0.0
LOSS_WEIGHT = 1.0
FOCAL_GAMMA = 0.0
PENALIZE_RATIO = 0.5
BLOCK_SIZE = (0.1, 1.0, 1.0)
MARGIN = 0.05


def _chamfer_dist1(pred, tgt, tgt_mask):
    # pred [P,3], tgt [T,3] -> [P] min squared L2 distance (ChamferDistance dist1)
    d = jnp.sum((pred[:, None, :] - tgt[None, :, :]) ** 2, axis=-1)
    d = jnp.where(tgt_mask[None, :], d, jnp.inf)
    return jnp.min(d, axis=1)


# paired-float32 (double-single) arithmetic reproducing numpy float64 rounding
def _two_sum(a, b):
    s = a + b
    bb = s - a
    return s, (a - (s - bb)) + (b - bb)


def _split(a):
    c = jnp.float32(4097.0) * a
    h = c - (c - a)
    return h, a - h


def _two_prod(a, b):
    p = a * b
    ah, al = _split(a)
    bh, bl = _split(b)
    return p, ((ah * bh - p) + ah * bl + al * bh) + al * bl


def _ds_add(a, b):
    s, e = _two_sum(a[0], b[0])
    e = e + a[1] + b[1]
    hi = s + e
    return hi, e - (hi - s)


def _ds_mul(a, b):
    p, e = _two_prod(a[0], b[0])
    e = e + a[0] * b[1] + a[1] * b[0]
    hi = p + e
    return hi, e - (hi - p)


def _ds_neg(a):
    return -a[0], -a[1]


def _ds_const(x):
    h = np.float32(x)
    return jnp.float32(h), jnp.float32(np.float64(x) - np.float64(h))


def _select_masks(pred, tgt, block_size):
    # faithful port of _random_block_choose index logic (np.random seeded for determinism)
    np.random.seed(0)
    bounds = []
    for i in range(3):
        lo = jnp.min(pred[:, :, i], axis=1)
        hi = jnp.max(pred[:, :, i], axis=1)
        w = hi - lo
        z = jnp.zeros_like(lo)
        wm = _ds_mul((w, z), _ds_const(MARGIN))
        bounds.append([_ds_add((lo, z), wm), _ds_add((hi, z), _ds_neg(wm))])
    dim_size = [int(1.0 / s) for s in block_size]
    rsel = [np.random.randint(d) for d in dim_size]
    ranges = []
    for p, r in enumerate(rsel):
        span = _ds_add(bounds[p][1], _ds_neg(bounds[p][0]))
        bs = _ds_const(block_size[p])
        _min = _ds_add(_ds_mul(_ds_mul(span, _ds_const(float(r))), bs), bounds[p][0])
        _max = _ds_add(_min, _ds_mul(span, bs))
        ranges.append([_min, _max])

    def indicator(pts):
        ind = jnp.ones(pts.shape[:2], dtype=bool)
        for p in range(3):
            th0, tl0 = ranges[p][0]
            th1, tl1 = ranges[p][1]
            x = pts[:, :, p]
            gt = (x > th0[:, None]) | ((x == th0[:, None]) & (tl0[:, None] < 0))
            lt = (x < th1[:, None]) | ((x == th1[:, None]) & (tl1[:, None] > 0))
            ind = ind & gt & lt
        return ind

    return indicator(pred), indicator(tgt)


def setup_inputs(seed: int = 0) -> dict:
    key = jax.random.key(seed)
    k1, k2 = jax.random.split(key)
    prediction_tensor = jax.random.uniform(k1, (4, 20000, 3), dtype=jnp.float32)
    target_tensor = jax.random.uniform(k2, (4, 20000, 3), dtype=jnp.float32)
    alpha = jnp.full((1,), INIT_ALPHA, dtype=jnp.float32)  # learned parameter nn.Parameter([init_alpha])
    return {"prediction_tensor": prediction_tensor, "target_tensor": target_tensor, "alpha": alpha}


def reference(prediction_tensor, target_tensor, alpha):
    mask_full = jnp.ones_like(prediction_tensor[..., :1])
    ind_pred, ind_tgt = _select_masks(prediction_tensor, target_tensor, BLOCK_SIZE)
    B, N, _ = prediction_tensor.shape
    T = target_tensor.shape[1]
    cs = int(np.gcd(N, 500))
    loss = jnp.float32(0.0)
    for b in range(B):
        cnt_p = jnp.sum(ind_pred[b])
        cnt_t = jnp.sum(ind_tgt[b])
        big_p = cnt_p >= 500
        pmask = jnp.where(big_p, ind_pred[b], jnp.arange(N) == 0)
        tmask = jnp.where(cnt_t >= 500, ind_tgt[b], jnp.ones((T,), dtype=bool))
        tgt_b = target_tensor[b]

        def body(c, pc):
            return c, _chamfer_dist1(pc, tgt_b, tmask)

        _, dc = jax.lax.scan(body, jnp.float32(0.0), prediction_tensor[b].reshape(N // cs, cs, 3))
        diff = jnp.where(pmask, dc.reshape(N), jnp.inf)
        P = jnp.where(big_p, cnt_p, 1)
        k = 1 + jnp.floor(P.astype(jnp.float32) * PENALIZE_RATIO).astype(P.dtype)  # torch.kthvalue k
        m = jnp.sort(diff)[k - 1]
        keep = pmask & (diff < m)
        mb = mask_full[b][:, 0]
        diff_ = jnp.where(keep, diff, jnp.float32(0.0))
        mk = jnp.where(keep, mb, jnp.float32(0.0))
        square_diff = diff_ * diff_ * mk
        loss_ = jnp.sum(square_diff) / (jnp.sum(mk) + 1e-12)
        loss = loss + loss_
    loss = loss / B
    focal_weight = (jnp.exp(-alpha) * loss) ** FOCAL_GAMMA
    focal_weight = focal_weight / (jnp.sum(focal_weight) + 1e-12)
    loss = focal_weight * (jnp.exp(-alpha) * loss)
    loss = jnp.sum(loss) + alpha
    return LOSS_WEIGHT * loss

if __name__ == "__main__":
    import jax
    _d = setup_inputs()
    print(jax.jit(kernel)(*tuple(_d.values())))

</pallas_src>

<mosaic_0001>
#map = affine_map<(d0, d1) -> (0, 0, 0)>
#map1 = affine_map<(d0, d1) -> (0, 0)>
module attributes {stable_mosaic.version = 14 : i64} {
  func.func @_pack_sc_kernel(%arg0: i32, %arg1: i32, %arg2: memref<8x3x20000xf32, #tpu.memory_space<hbm>>, %arg3: memref<8x20000xi32, #tpu.memory_space<hbm>>, %arg4: memref<8x3x20480xf32, #tpu.memory_space<hbm>>, %arg5: memref<8x16xi32, #tpu.memory_space<hbm>>, %arg6: memref<20000xf32, #tpu.memory_space<vmem>>, %arg7: memref<20000xi32, #tpu.memory_space<vmem>>, %arg8: memref<20016xf32, #tpu.memory_space<vmem>>, %arg9: memref<16xi32, #tpu.memory_space<vmem>>) attributes {dimension_semantics = [#tpu.dimension_semantics<core_parallel>, #tpu.dimension_semantics<subcore_parallel>], iteration_bounds = array<i64: 2, 16>, scalar_prefetch = 0 : i64, scratch_operands = 4 : i64, tpu.core_type = #tpu.core_type<sc_vector_subcore>, window_params = [{transform_indices = #map}, {transform_indices = #map1}, {transform_indices = #map}, {transform_indices = #map1}]} {
    %mul3A = arith.constant 2 : i32
    %mul3A_0 = arith.muli %arg1, %mul3A : i32
    %add3A = arith.addi %mul3A_0, %arg0 : i32
    %jit3A = arith.constant 3 : i32
    %div3A = arith.divsi %add3A, %jit3A : i32
    %sign3A = arith.constant 0 : i32
    %sign3A_1 = arith.cmpi sgt, %add3A, %sign3A : i32
    %sign3A_2 = arith.extui %sign3A_1 : i1 to i32
    %sign3A_3 = arith.constant 0 : i32
    %sign3A_4 = arith.cmpi slt, %add3A, %sign3A_3 : i32
    %sign3A_5 = arith.extui %sign3A_4 : i1 to i32
    %sign3A_6 = arith.subi %sign3A_2, %sign3A_5 : i32
    %sign3A_7 = arith.constant 0 : i32
    %sign3A_8 = arith.cmpi sgt, %jit3A, %sign3A_7 : i32
    %sign3A_9 = arith.extui %sign3A_8 : i1 to i32
    %sign3A_10 = arith.constant 0 : i32
    %sign3A_11 = arith.cmpi slt, %jit3A, %sign3A_10 : i32
    %sign3A_12 = arith.extui %sign3A_11 : i1 to i32
    %sign3A_13 = arith.subi %sign3A_9, %sign3A_12 : i32
    %ne3A = arith.cmpi ne, %sign3A_6, %sign3A_13 : i32
    %rem3A = arith.remsi %add3A, %jit3A : i32
    %ne3A_14 = arith.constant 0 : i32
    %ne3A_15 = arith.cmpi ne, %rem3A, %ne3A_14 : i32
    %and3A = arith.andi %ne3A, %ne3A_15 : i1
    %sub3A = arith.constant 1 : i32
    %sub3A_16 = arith.subi %div3A, %sub3A : i32
    %select_n3A = arith.select %and3A, %sub3A_16, %div3A : i32
    %jit3A_17 = arith.constant 3 : i32
    %eq3A = arith.constant 0 : i32
    %eq3A_18 = arith.cmpi eq, %jit3A_17, %eq3A : i32
    %jit3A_19 = arith.constant 1 : i32
    %select_n3A_20 = arith.select %eq3A_18, %jit3A_19, %jit3A_17 : i32
    %rem3A_21 = arith.remsi %add3A, %select_n3A_20 : i32
    %ne3A_22 = arith.constant 0 : i32
    %ne3A_23 = arith.cmpi ne, %rem3A_21, %ne3A_22 : i32
    %lt3A = arith.constant 0 : i32
    %lt3A_24 = arith.cmpi slt, %rem3A_21, %lt3A : i32
    %lt3A_25 = arith.constant 0 : i32
    %lt3A_26 = arith.cmpi slt, %select_n3A_20, %lt3A_25 : i32
    %ne3A_27 = arith.xori %lt3A_24, %lt3A_26 : i1
    %and3A_28 = arith.andi %ne3A_27, %ne3A_23 : i1
    %add3A_29 = arith.addi %rem3A_21, %select_n3A_20 : i32
    %select_n3A_30 = arith.select %and3A_28, %add3A_29, %rem3A_21 : i32
    %lt3A_31 = arith.constant 24 : i32
    %lt3A_32 = arith.cmpi slt, %add3A, %lt3A_31 : i32
    %convert_element_type3A = arith.extui %lt3A_32 : i1 to i32
    %cond3A = arith.constant 0 : i32
    %cond3A_33 = arith.cmpi ne, %convert_element_type3A, %cond3A : i32
    scf.if %cond3A_33 {
      "tpu.region"() ({
        %run_scoped3A = tpu.sem_alloc : memref<!tpu.dma_semaphore, #tpu.memory_space<semaphore_mem>>
        %dma_start3A = arith.constant 0 : i32
        %dma_start3A_155 = tpu.memref_slice %arg2[%select_n3A, %select_n3A_30, %dma_start3A] : memref<8x3x20000xf32, #tpu.memory_space<hbm>> -> memref<1x1x20000xf32, #tpu.memory_space<hbm>>
        %dma_start3A_156 = tpu.memref_squeeze %dma_start3A_155 : memref<1x1x20000xf32, #tpu.memory_space<hbm>> -> memref<20000xf32, #tpu.memory_space<hbm>>
        %dma_start3A_157 = arith.constant 0 : i32
        %dma_start3A_158 = tpu.memref_slice %arg2[%select_n3A, %select_n3A_30, %dma_start3A_157] : memref<8x3x20000xf32, #tpu.memory_space<hbm>> -> memref<1x1x20000xf32, #tpu.memory_space<hbm>>
        %dma_start3A_159 = tpu.memref_squeeze %dma_start3A_158 : memref<1x1x20000xf32, #tpu.memory_space<hbm>> -> memref<20000xf32, #tpu.memory_space<hbm>>
        tpu.enqueue_dma source(%dma_start3A_159 : memref<20000xf32, #tpu.memory_space<hbm>>) target(%arg6 : memref<20000xf32, #tpu.memory_space<vmem>>) target_semaphore(%run_scoped3A : memref<!tpu.dma_semaphore, #tpu.memory_space<semaphore_mem>>)
        %dma_wait3A = arith.constant 0 : i32
        %dma_wait3A_160 = tpu.memref_slice %arg2[%select_n3A, %select_n3A_30, %dma_wait3A] : memref<8x3x20000xf32, #tpu.memory_space<hbm>> -> memref<1x1x20000xf32, #tpu.memory_space<hbm>>
        %dma_wait3A_161 = tpu.memref_squeeze %dma_wait3A_160 : memref<1x1x20000xf32, #tpu.memory_space<hbm>> -> memref<20000xf32, #tpu.memory_space<hbm>>
        %dma_wait3A_162 = arith.constant 0 : i32
        %dma_wait3A_163 = tpu.memref_slice %arg2[%select_n3A, %select_n3A_30, %dma_wait3A_162] : memref<8x3x20000xf32, #tpu.memory_space<hbm>> -> memref<1x1x20000xf32, #tpu.memory_space<hbm>>
        %dma_wait3A_164 = tpu.memref_squeeze %dma_wait3A_163 : memref<1x1x20000xf32, #tpu.memory_space<hbm>> -> memref<20000xf32, #tpu.memory_space<hbm>>
        tpu.wait_dma2 semaphore(%run_scoped3A : memref<!tpu.dma_semaphore, #tpu.memory_space<semaphore_mem>>) src(%dma_wait3A_164 : memref<20000xf32, #tpu.memory_space<hbm>>) dst(%arg6 : memref<20000xf32, #tpu.memory_space<vmem>>)
        tpu.yield
      }) : () -> ()
      "tpu.region"() ({
        %run_scoped3A = tpu.sem_alloc : memref<!tpu.dma_semaphore, #tpu.memory_space<semaphore_mem>>
        %dma_start3A = arith.constant 0 : i32
        %dma_start3A_155 = tpu.memref_slice %arg3[%select_n3A, %dma_start3A] : memref<8x20000xi32, #tpu.memory_space<hbm>> -> memref<1x20000xi32, #tpu.memory_space<hbm>>
        %dma_start3A_156 = tpu.memref_squeeze %dma_start3A_155 : memref<1x20000xi32, #tpu.memory_space<hbm>> -> memref<20000xi32, #tpu.memory_space<hbm>>
        %dma_start3A_157 = arith.constant 0 : i32
        %dma_start3A_158 = tpu.memref_slice %arg3[%select_n3A, %dma_start3A_157] : memref<8x20000xi32, #tpu.memory_space<hbm>> -> memref<1x20000xi32, #tpu.memory_space<hbm>>
        %dma_start3A_159 = tpu.memref_squeeze %dma_start3A_158 : memref<1x20000xi32, #tpu.memory_space<hbm>> -> memref<20000xi32, #tpu.memory_space<hbm>>
        tpu.enqueue_dma source(%dma_start3A_159 : memref<20000xi32, #tpu.memory_space<hbm>>) target(%arg7 : memref<20000xi32, #tpu.memory_space<vmem>>) target_semaphore(%run_scoped3A : memref<!tpu.dma_semaphore, #tpu.memory_space<semaphore_mem>>)
        %dma_wait3A = arith.constant 0 : i32
        %dma_wait3A_160 = tpu.memref_slice %arg3[%select_n3A, %dma_wait3A] : memref<8x20000xi32, #tpu.memory_space<hbm>> -> memref<1x20000xi32, #tpu.memory_space<hbm>>
        %dma_wait3A_161 = tpu.memref_squeeze %dma_wait3A_160 : memref<1x20000xi32, #tpu.memory_space<hbm>> -> memref<20000xi32, #tpu.memory_space<hbm>>
        %dma_wait3A_162 = arith.constant 0 : i32
        %dma_wait3A_163 = tpu.memref_slice %arg3[%select_n3A, %dma_wait3A_162] : memref<8x20000xi32, #tpu.memory_space<hbm>> -> memref<1x20000xi32, #tpu.memory_space<hbm>>
        %dma_wait3A_164 = tpu.memref_squeeze %dma_wait3A_163 : memref<1x20000xi32, #tpu.memory_space<hbm>> -> memref<20000xi32, #tpu.memory_space<hbm>>
        tpu.wait_dma2 semaphore(%run_scoped3A : memref<!tpu.dma_semaphore, #tpu.memory_space<semaphore_mem>>) src(%dma_wait3A_164 : memref<20000xi32, #tpu.memory_space<hbm>>) dst(%arg7 : memref<20000xi32, #tpu.memory_space<vmem>>)
        tpu.yield
      }) : () -> ()
      %scan3A = arith.constant 0 : i32
      %scan3A_34 = arith.constant 0 : i32
      %scan3A_35 = arith.constant 1250 : i32
      %scan3A_36 = arith.addi %scan3A_34, %scan3A_35 : i32
      %scan3A_37 = arith.constant 1 : i32
      %scan3A_38 = scf.for %scan3A_155 = %scan3A_34 to %scan3A_36 step %scan3A_37 iter_args(%scan3A_156 = %scan3A) -> (i32)  : i32 {
        %mul3A_157 = arith.constant 16 : i32
        %mul3A_158 = arith.muli %scan3A_155, %mul3A_157 : i32
        %get3A = arith.index_cast %mul3A_158 : i32 to index
        %get3A_159 = tpu.vector_load %arg6[%get3A] {strides = array<i32>} : memref<20000xf32, #tpu.memory_space<vmem>>, vector<16xf32>,
        %get3A_160 = arith.index_cast %mul3A_158 : i32 to index
        %get3A_161 = tpu.vector_load %arg7[%get3A_160] {strides = array<i32>} : memref<20000xi32, #tpu.memory_space<vmem>>, vector<16xi32>,
        %ne3A_162 = arith.constant 0 : i32
        %ne3A_163 = vector.broadcast %ne3A_162 : i32 to vector<16xi32>
        %ne3A_164 = arith.cmpi ne, %get3A_161, %ne3A_163 : vector<16xi32>
        %swap3A = arith.index_cast %scan3A_156 : i32 to index
        %swap3A_165 = tpu.vector_load %arg8[%swap3A] masked %ne3A_164 {strides = array<i32>} : memref<20016xf32, #tpu.memory_space<vmem>>, vector<16xf32>, vector<16xi1>
        tpu.vector_store %arg8[%swap3A], %get3A_159 masked %ne3A_164 {strides = array<i32>} : memref<20016xf32, #tpu.memory_space<vmem>>, vector<16xf32>, vector<16xi1>
        %convert_element_type3A_166 = arith.extui %ne3A_164 : vector<16xi1> to vector<16xi32>
        %reduce_sum3A = arith.constant true
        %reduce_sum3A_167 = vector.broadcast %reduce_sum3A : i1 to vector<16xi1>
        %reduce_sum3A_168 = tpu.scan <sum>, %convert_element_type3A_166 masked %reduce_sum3A_167 : vector<16xi32>, vector<16xi1> -> vector<16xi32>
        %reduce_sum3A_169 = vector.extract %reduce_sum3A_168[15] : i32 from vector<16xi32>
        %add3A_170 = arith.addi %scan3A_156, %reduce_sum3A_169 : i32
        scf.yield %add3A_170 : i32
      }
      %scan3A_39 = arith.constant 1250 : i32
      %eq3A_40 = arith.constant 0 : i32
      %eq3A_41 = arith.cmpi eq, %select_n3A_30, %eq3A_40 : i32
      %convert_element_type3A_42 = arith.extui %eq3A_41 : i1 to i32
      %cond3A_43 = arith.constant 0 : i32
      %cond3A_44 = arith.cmpi ne, %convert_element_type3A_42, %cond3A_43 : i32
      scf.if %cond3A_44 {
        %broadcast_in_dim3A = vector.broadcast %scan3A_38 : i32 to vector<16xi32>
        %swap3A = arith.constant 0 : index
        %swap3A_155 = tpu.vector_load %arg9[%swap3A] {strides = array<i32>} : memref<16xi32, #tpu.memory_space<vmem>>, vector<16xi32>,
        tpu.vector_store %arg9[%swap3A], %broadcast_in_dim3A {strides = array<i32>} : memref<16xi32, #tpu.memory_space<vmem>>, vector<16xi32>,
        "tpu.region"() ({
          %run_scoped3A = tpu.sem_alloc : memref<!tpu.dma_semaphore, #tpu.memory_space<semaphore_mem>>
          %dma_start3A = arith.constant 0 : i32
          %dma_start3A_156 = tpu.memref_slice %arg5[%select_n3A, %dma_start3A] : memref<8x16xi32, #tpu.memory_space<hbm>> -> memref<1x16xi32, #tpu.memory_space<hbm>>
          %dma_start3A_157 = tpu.memref_squeeze %dma_start3A_156 : memref<1x16xi32, #tpu.memory_space<hbm>> -> memref<16xi32, #tpu.memory_space<hbm>>
          %dma_start3A_158 = arith.constant 0 : i32
          %dma_start3A_159 = tpu.memref_slice %arg5[%select_n3A, %dma_start3A_158] : memref<8x16xi32, #tpu.memory_space<hbm>> -> memref<1x16xi32, #tpu.memory_space<hbm>>
          %dma_start3A_160 = tpu.memref_squeeze %dma_start3A_159 : memref<1x16xi32, #tpu.memory_space<hbm>> -> memref<16xi32, #tpu.memory_space<hbm>>
          tpu.enqueue_dma source(%arg9 : memref<16xi32, #tpu.memory_space<vmem>>) target(%dma_start3A_160 : memref<16xi32, #tpu.memory_space<hbm>>) target_semaphore(%run_scoped3A : memref<!tpu.dma_semaphore, #tpu.memory_space<semaphore_mem>>)
          %dma_wait3A = arith.constant 0 : i32
          %dma_wait3A_161 = tpu.memref_slice %arg5[%select_n3A, %dma_wait3A] : memref<8x16xi32, #tpu.memory_space<hbm>> -> memref<1x16xi32, #tpu.memory_space<hbm>>
          %dma_wait3A_162 = tpu.memref_squeeze %dma_wait3A_161 : memref<1x16xi32, #tpu.memory_space<hbm>> -> memref<16xi32, #tpu.memory_space<hbm>>
          %dma_wait3A_163 = arith.constant 0 : i32
          %dma_wait3A_164 = tpu.memref_slice %arg5[%select_n3A, %dma_wait3A_163] : memref<8x16xi32, #tpu.memory_space<hbm>> -> memref<1x16xi32, #tpu.memory_space<hbm>>
          %dma_wait3A_165 = tpu.memref_squeeze %dma_wait3A_164 : memref<1x16xi32, #tpu.memory_space<hbm>> -> memref<16xi32, #tpu.memory_space<hbm>>
          tpu.wait_dma2 semaphore(%run_scoped3A : memref<!tpu.dma_semaphore, #tpu.memory_space<semaphore_mem>>) src(%arg9 : memref<16xi32, #tpu.memory_space<vmem>>) dst(%dma_wait3A_165 : memref<16xi32, #tpu.memory_space<hbm>>)
          tpu.yield
        }) : () -> ()
      } else {
      }
      %jit3A_45 = arith.constant 512 : i32
      %div3A_46 = arith.divsi %scan3A_38, %jit3A_45 : i32
      %sign3A_47 = arith.constant 0 : i32
      %sign3A_48 = arith.cmpi sgt, %scan3A_38, %sign3A_47 : i32
      %sign3A_49 = arith.extui %sign3A_48 : i1 to i32
      %sign3A_50 = arith.constant 0 : i32
      %sign3A_51 = arith.cmpi slt, %scan3A_38, %sign3A_50 : i32
      %sign3A_52 = arith.extui %sign3A_51 : i1 to i32
      %sign3A_53 = arith.subi %sign3A_49, %sign3A_52 : i32
      %sign3A_54 = arith.constant 0 : i32
      %sign3A_55 = arith.cmpi sgt, %jit3A_45, %sign3A_54 : i32
      %sign3A_56 = arith.extui %sign3A_55 : i1 to i32
      %sign3A_57 = arith.constant 0 : i32
      %sign3A_58 = arith.cmpi slt, %jit3A_45, %sign3A_57 : i32
      %sign3A_59 = arith.extui %sign3A_58 : i1 to i32
      %sign3A_60 = arith.subi %sign3A_56, %sign3A_59 : i32
      %ne3A_61 = arith.cmpi ne, %sign3A_53, %sign3A_60 : i32
      %rem3A_62 = arith.remsi %scan3A_38, %jit3A_45 : i32
      %ne3A_63 = arith.constant 0 : i32
      %ne3A_64 = arith.cmpi ne, %rem3A_62, %ne3A_63 : i32
      %and3A_65 = arith.andi %ne3A_61, %ne3A_64 : i1
      %sub3A_66 = arith.constant 1 : i32
      %sub3A_67 = arith.subi %div3A_46, %sub3A_66 : i32
      %select_n3A_68 = arith.select %and3A_65, %sub3A_67, %div3A_46 : i32
      %while3A = arith.constant 0 : i32
      %while3A_69 = arith.constant 0 : i32
      %while3A_70 = arith.subi %select_n3A_68, %while3A_69 : i32
      %while3A_71 = arith.addi %while3A_69, %while3A_70 : i32
      %while3A_72 = arith.constant 1 : i32
      %while3A_73 = arith.divsi %while3A_70, %while3A_72 : i32
      %while3A_74 = arith.muli %while3A_73, %while3A_72 : i32
      %while3A_75 = arith.addi %while3A_69, %while3A_74 : i32
      %while3A_76 = arith.constant 1 : i32
      scf.for %while3A_155 = %while3A_69 to %while3A_75 step %while3A_76  : i32 {
        %mul3A_156 = arith.constant 512 : i32
        %mul3A_157 = arith.muli %while3A_155, %mul3A_156 : i32
        %mul3A_158 = arith.constant 512 : i32
        %mul3A_159 = arith.muli %while3A_155, %mul3A_158 : i32
        "tpu.region"() ({
          %run_scoped3A = tpu.sem_alloc : memref<!tpu.dma_semaphore, #tpu.memory_space<semaphore_mem>>
          %dma_start3A = tpu.memref_slice %arg8[%mul3A_157] : memref<20016xf32, #tpu.memory_space<vmem>> -> memref<512xf32, #tpu.memory_space<vmem>>
          %dma_start3A_160 = tpu.memref_slice %arg4[%select_n3A, %select_n3A_30, %mul3A_159] : memref<8x3x20480xf32, #tpu.memory_space<hbm>> -> memref<1x1x512xf32, #tpu.memory_space<hbm>>
          %dma_start3A_161 = tpu.memref_squeeze %dma_start3A_160 : memref<1x1x512xf32, #tpu.memory_space<hbm>> -> memref<512xf32, #tpu.memory_space<hbm>>
          %dma_start3A_162 = tpu.memref_slice %arg4[%select_n3A, %select_n3A_30, %mul3A_159] : memref<8x3x20480xf32, #tpu.memory_space<hbm>> -> memref<1x1x512xf32, #tpu.memory_space<hbm>>
          %dma_start3A_163 = tpu.memref_squeeze %dma_start3A_162 : memref<1x1x512xf32, #tpu.memory_space<hbm>> -> memref<512xf32, #tpu.memory_space<hbm>>
          %dma_start3A_164 = tpu.memref_slice %arg8[%mul3A_157] : memref<20016xf32, #tpu.memory_space<vmem>> -> memref<512xf32, #tpu.memory_space<vmem>>
          tpu.enqueue_dma source(%dma_start3A_164 : memref<512xf32, #tpu.memory_space<vmem>>) target(%dma_start3A_163 : memref<512xf32, #tpu.memory_space<hbm>>) target_semaphore(%run_scoped3A : memref<!tpu.dma_semaphore, #tpu.memory_space<semaphore_mem>>)
          %dma_wait3A = tpu.memref_slice %arg8[%mul3A_157] : memref<20016xf32, #tpu.memory_space<vmem>> -> memref<512xf32, #tpu.memory_space<vmem>>
          %dma_wait3A_165 = tpu.memref_slice %arg4[%select_n3A, %select_n3A_30, %mul3A_159] : memref<8x3x20480xf32, #tpu.memory_space<hbm>> -> memref<1x1x512xf32, #tpu.memory_space<hbm>>
          %dma_wait3A_166 = tpu.memref_squeeze %dma_wait3A_165 : memref<1x1x512xf32, #tpu.memory_space<hbm>> -> memref<512xf32, #tpu.memory_space<hbm>>
          %dma_wait3A_167 = tpu.memref_slice %arg4[%select_n3A, %select_n3A_30, %mul3A_159] : memref<8x3x20480xf32, #tpu.memory_space<hbm>> -> memref<1x1x512xf32, #tpu.memory_space<hbm>>
          %dma_wait3A_168 = tpu.memref_squeeze %dma_wait3A_167 : memref<1x1x512xf32, #tpu.memory_space<hbm>> -> memref<512xf32, #tpu.memory_space<hbm>>
          %dma_wait3A_169 = tpu.memref_slice %arg8[%mul3A_157] : memref<20016xf32, #tpu.memory_space<vmem>> -> memref<512xf32, #tpu.memory_space<vmem>>
          tpu.wait_dma2 semaphore(%run_scoped3A : memref<!tpu.dma_semaphore, #tpu.memory_space<semaphore_mem>>) src(%dma_wait3A_169 : memref<512xf32, #tpu.memory_space<vmem>>) dst(%dma_wait3A_168 : memref<512xf32, #tpu.memory_space<hbm>>)
          tpu.yield
        }) : () -> ()
      }
      %while3A_77 = arith.constant 1 : i32
      scf.for %while3A_155 = %while3A_75 to %while3A_71 step %while3A_77  : i32 {
        %mul3A_156 = arith.constant 512 : i32
        %mul3A_157 = arith.muli %while3A_155, %mul3A_156 : i32
        %mul3A_158 = arith.constant 512 : i32
        %mul3A_159 = arith.muli %while3A_155, %mul3A_158 : i32
        "tpu.region"() ({
          %run_scoped3A = tpu.sem_alloc : memref<!tpu.dma_semaphore, #tpu.memory_space<semaphore_mem>>
          %dma_start3A = tpu.memref_slice %arg8[%mul3A_157] : memref<20016xf32, #tpu.memory_space<vmem>> -> memref<512xf32, #tpu.memory_space<vmem>>
          %dma_start3A_160 = tpu.memref_slice %arg4[%select_n3A, %select_n3A_30, %mul3A_159] : memref<8x3x20480xf32, #tpu.memory_space<hbm>> -> memref<1x1x512xf32, #tpu.memory_space<hbm>>
          %dma_start3A_161 = tpu.memref_squeeze %dma_start3A_160 : memref<1x1x512xf32, #tpu.memory_space<hbm>> -> memref<512xf32, #tpu.memory_space<hbm>>
          %dma_start3A_162 = tpu.memref_slice %arg4[%select_n3A, %select_n3A_30, %mul3A_159] : memref<8x3x20480xf32, #tpu.memory_space<hbm>> -> memref<1x1x512xf32, #tpu.memory_space<hbm>>
          %dma_start3A_163 = tpu.memref_squeeze %dma_start3A_162 : memref<1x1x512xf32, #tpu.memory_space<hbm>> -> memref<512xf32, #tpu.memory_space<hbm>>
          %dma_start3A_164 = tpu.memref_slice %arg8[%mul3A_157] : memref<20016xf32, #tpu.memory_space<vmem>> -> memref<512xf32, #tpu.memory_space<vmem>>
          tpu.enqueue_dma source(%dma_start3A_164 : memref<512xf32, #tpu.memory_space<vmem>>) target(%dma_start3A_163 : memref<512xf32, #tpu.memory_space<hbm>>) target_semaphore(%run_scoped3A : memref<!tpu.dma_semaphore, #tpu.memory_space<semaphore_mem>>)
          %dma_wait3A = tpu.memref_slice %arg8[%mul3A_157] : memref<20016xf32, #tpu.memory_space<vmem>> -> memref<512xf32, #tpu.memory_space<vmem>>
          %dma_wait3A_165 = tpu.memref_slice %arg4[%select_n3A, %select_n3A_30, %mul3A_159] : memref<8x3x20480xf32, #tpu.memory_space<hbm>> -> memref<1x1x512xf32, #tpu.memory_space<hbm>>
          %dma_wait3A_166 = tpu.memref_squeeze %dma_wait3A_165 : memref<1x1x512xf32, #tpu.memory_space<hbm>> -> memref<512xf32, #tpu.memory_space<hbm>>
          %dma_wait3A_167 = tpu.memref_slice %arg4[%select_n3A, %select_n3A_30, %mul3A_159] : memref<8x3x20480xf32, #tpu.memory_space<hbm>> -> memref<1x1x512xf32, #tpu.memory_space<hbm>>
          %dma_wait3A_168 = tpu.memref_squeeze %dma_wait3A_167 : memref<1x1x512xf32, #tpu.memory_space<hbm>> -> memref<512xf32, #tpu.memory_space<hbm>>
          %dma_wait3A_169 = tpu.memref_slice %arg8[%mul3A_157] : memref<20016xf32, #tpu.memory_space<vmem>> -> memref<512xf32, #tpu.memory_space<vmem>>
          tpu.wait_dma2 semaphore(%run_scoped3A : memref<!tpu.dma_semaphore, #tpu.memory_space<semaphore_mem>>) src(%dma_wait3A_169 : memref<512xf32, #tpu.memory_space<vmem>>) dst(%dma_wait3A_168 : memref<512xf32, #tpu.memory_space<hbm>>)
          tpu.yield
        }) : () -> ()
      }
      %mul3A_78 = arith.constant 512 : i32
      %mul3A_79 = arith.muli %select_n3A_68, %mul3A_78 : i32
      %sub3A_80 = arith.subi %scan3A_38, %mul3A_79 : i32
      %jit3A_81 = arith.constant 64 : i32
      %div3A_82 = arith.divsi %sub3A_80, %jit3A_81 : i32
      %sign3A_83 = arith.constant 0 : i32
      %sign3A_84 = arith.cmpi sgt, %sub3A_80, %sign3A_83 : i32
      %sign3A_85 = arith.extui %sign3A_84 : i1 to i32
      %sign3A_86 = arith.constant 0 : i32
      %sign3A_87 = arith.cmpi slt, %sub3A_80, %sign3A_86 : i32
      %sign3A_88 = arith.extui %sign3A_87 : i1 to i32
      %sign3A_89 = arith.subi %sign3A_85, %sign3A_88 : i32
      %sign3A_90 = arith.constant 0 : i32
      %sign3A_91 = arith.cmpi sgt, %jit3A_81, %sign3A_90 : i32
      %sign3A_92 = arith.extui %sign3A_91 : i1 to i32
      %sign3A_93 = arith.constant 0 : i32
      %sign3A_94 = arith.cmpi slt, %jit3A_81, %sign3A_93 : i32
      %sign3A_95 = arith.extui %sign3A_94 : i1 to i32
      %sign3A_96 = arith.subi %sign3A_92, %sign3A_95 : i32
      %ne3A_97 = arith.cmpi ne, %sign3A_89, %sign3A_96 : i32
      %rem3A_98 = arith.remsi %sub3A_80, %jit3A_81 : i32
      %ne3A_99 = arith.constant 0 : i32
      %ne3A_100 = arith.cmpi ne, %rem3A_98, %ne3A_99 : i32
      %and3A_101 = arith.andi %ne3A_97, %ne3A_100 : i1
      %sub3A_102 = arith.constant 1 : i32
      %sub3A_103 = arith.subi %div3A_82, %sub3A_102 : i32
      %select_n3A_104 = arith.select %and3A_101, %sub3A_103, %div3A_82 : i32
      %while3A_105 = arith.constant 0 : i32
      %while3A_106 = arith.constant 0 : i32
      %while3A_107 = arith.subi %select_n3A_104, %while3A_106 : i32
      %while3A_108 = arith.addi %while3A_106, %while3A_107 : i32
      %while3A_109 = arith.constant 1 : i32
      %while3A_110 = arith.divsi %while3A_107, %while3A_109 : i32
      %while3A_111 = arith.muli %while3A_110, %while3A_109 : i32
      %while3A_112 = arith.addi %while3A_106, %while3A_111 : i32
      %while3A_113 = arith.constant 1 : i32
      scf.for %while3A_155 = %while3A_106 to %while3A_112 step %while3A_113  : i32 {
        %mul3A_156 = arith.constant 64 : i32
        %mul3A_157 = arith.muli %while3A_155, %mul3A_156 : i32
        %add3A_158 = arith.addi %mul3A_79, %mul3A_157 : i32
        %mul3A_159 = arith.constant 64 : i32
        %mul3A_160 = arith.muli %while3A_155, %mul3A_159 : i32
        %add3A_161 = arith.addi %mul3A_79, %mul3A_160 : i32
        "tpu.region"() ({
          %run_scoped3A = tpu.sem_alloc : memref<!tpu.dma_semaphore, #tpu.memory_space<semaphore_mem>>
          %dma_start3A = tpu.memref_slice %arg8[%add3A_158] : memref<20016xf32, #tpu.memory_space<vmem>> -> memref<64xf32, #tpu.memory_space<vmem>>
          %dma_start3A_162 = tpu.memref_slice %arg4[%select_n3A, %select_n3A_30, %add3A_161] : memref<8x3x20480xf32, #tpu.memory_space<hbm>> -> memref<1x1x64xf32, #tpu.memory_space<hbm>>
          %dma_start3A_163 = tpu.memref_squeeze %dma_start3A_162 : memref<1x1x64xf32, #tpu.memory_space<hbm>> -> memref<64xf32, #tpu.memory_space<hbm>>
          %dma_start3A_164 = tpu.memref_slice %arg4[%select_n3A, %select_n3A_30, %add3A_161] : memref<8x3x20480xf32, #tpu.memory_space<hbm>> -> memref<1x1x64xf32, #tpu.memory_space<hbm>>
          %dma_start3A_165 = tpu.memref_squeeze %dma_start3A_164 : memref<1x1x64xf32, #tpu.memory_space<hbm>> -> memref<64xf32, #tpu.memory_space<hbm>>
          %dma_start3A_166 = tpu.memref_slice %arg8[%add3A_158] : memref<20016xf32, #tpu.memory_space<vmem>> -> memref<64xf32, #tpu.memory_space<vmem>>
          tpu.enqueue_dma source(%dma_start3A_166 : memref<64xf32, #tpu.memory_space<vmem>>) target(%dma_start3A_165 : memref<64xf32, #tpu.memory_space<hbm>>) target_semaphore(%run_scoped3A : memref<!tpu.dma_semaphore, #tpu.memory_space<semaphore_mem>>)
          %dma_wait3A = tpu.memref_slice %arg8[%add3A_158] : memref<20016xf32, #tpu.memory_space<vmem>> -> memref<64xf32, #tpu.memory_space<vmem>>
          %dma_wait3A_167 = tpu.memref_slice %arg4[%select_n3A, %select_n3A_30, %add3A_161] : memref<8x3x20480xf32, #tpu.memory_space<hbm>> -> memref<1x1x64xf32, #tpu.memory_space<hbm>>
          %dma_wait3A_168 = tpu.memref_squeeze %dma_wait3A_167 : memref<1x1x64xf32, #tpu.memory_space<hbm>> -> memref<64xf32, #tpu.memory_space<hbm>>
          %dma_wait3A_169 = tpu.memref_slice %arg4[%select_n3A, %select_n3A_30, %add3A_161] : memref<8x3x20480xf32, #tpu.memory_space<hbm>> -> memref<1x1x64xf32, #tpu.memory_space<hbm>>
          %dma_wait3A_170 = tpu.memref_squeeze %dma_wait3A_169 : memref<1x1x64xf32, #tpu.memory_space<hbm>> -> memref<64xf32, #tpu.memory_space<hbm>>
          %dma_wait3A_171 = tpu.memref_slice %arg8[%add3A_158] : memref<20016xf32, #tpu.memory_space<vmem>> -> memref<64xf32, #tpu.memory_space<vmem>>
          tpu.wait_dma2 semaphore(%run_scoped3A : memref<!tpu.dma_semaphore, #tpu.memory_space<semaphore_mem>>) src(%dma_wait3A_171 : memref<64xf32, #tpu.memory_space<vmem>>) dst(%dma_wait3A_170 : memref<64xf32, #tpu.memory_space<hbm>>)
          tpu.yield
        }) : () -> ()
      }
      %while3A_114 = arith.constant 1 : i32
      scf.for %while3A_155 = %while3A_112 to %while3A_108 step %while3A_114  : i32 {
        %mul3A_156 = arith.constant 64 : i32
        %mul3A_157 = arith.muli %while3A_155, %mul3A_156 : i32
        %add3A_158 = arith.addi %mul3A_79, %mul3A_157 : i32
        %mul3A_159 = arith.constant 64 : i32
        %mul3A_160 = arith.muli %while3A_155, %mul3A_159 : i32
        %add3A_161 = arith.addi %mul3A_79, %mul3A_160 : i32
        "tpu.region"() ({
          %run_scoped3A = tpu.sem_alloc : memref<!tpu.dma_semaphore, #tpu.memory_space<semaphore_mem>>
          %dma_start3A = tpu.memref_slice %arg8[%add3A_158] : memref<20016xf32, #tpu.memory_space<vmem>> -> memref<64xf32, #tpu.memory_space<vmem>>
          %dma_start3A_162 = tpu.memref_slice %arg4[%select_n3A, %select_n3A_30, %add3A_161] : memref<8x3x20480xf32, #tpu.memory_space<hbm>> -> memref<1x1x64xf32, #tpu.memory_space<hbm>>
          %dma_start3A_163 = tpu.memref_squeeze %dma_start3A_162 : memref<1x1x64xf32, #tpu.memory_space<hbm>> -> memref<64xf32, #tpu.memory_space<hbm>>
          %dma_start3A_164 = tpu.memref_slice %arg4[%select_n3A, %select_n3A_30, %add3A_161] : memref<8x3x20480xf32, #tpu.memory_space<hbm>> -> memref<1x1x64xf32, #tpu.memory_space<hbm>>
          %dma_start3A_165 = tpu.memref_squeeze %dma_start3A_164 : memref<1x1x64xf32, #tpu.memory_space<hbm>> -> memref<64xf32, #tpu.memory_space<hbm>>
          %dma_start3A_166 = tpu.memref_slice %arg8[%add3A_158] : memref<20016xf32, #tpu.memory_space<vmem>> -> memref<64xf32, #tpu.memory_space<vmem>>
          tpu.enqueue_dma source(%dma_start3A_166 : memref<64xf32, #tpu.memory_space<vmem>>) target(%dma_start3A_165 : memref<64xf32, #tpu.memory_space<hbm>>) target_semaphore(%run_scoped3A : memref<!tpu.dma_semaphore, #tpu.memory_space<semaphore_mem>>)
          %dma_wait3A = tpu.memref_slice %arg8[%add3A_158] : memref<20016xf32, #tpu.memory_space<vmem>> -> memref<64xf32, #tpu.memory_space<vmem>>
          %dma_wait3A_167 = tpu.memref_slice %arg4[%select_n3A, %select_n3A_30, %add3A_161] : memref<8x3x20480xf32, #tpu.memory_space<hbm>> -> memref<1x1x64xf32, #tpu.memory_space<hbm>>
          %dma_wait3A_168 = tpu.memref_squeeze %dma_wait3A_167 : memref<1x1x64xf32, #tpu.memory_space<hbm>> -> memref<64xf32, #tpu.memory_space<hbm>>
          %dma_wait3A_169 = tpu.memref_slice %arg4[%select_n3A, %select_n3A_30, %add3A_161] : memref<8x3x20480xf32, #tpu.memory_space<hbm>> -> memref<1x1x64xf32, #tpu.memory_space<hbm>>
          %dma_wait3A_170 = tpu.memref_squeeze %dma_wait3A_169 : memref<1x1x64xf32, #tpu.memory_space<hbm>> -> memref<64xf32, #tpu.memory_space<hbm>>
          %dma_wait3A_171 = tpu.memref_slice %arg8[%add3A_158] : memref<20016xf32, #tpu.memory_space<vmem>> -> memref<64xf32, #tpu.memory_space<vmem>>
          tpu.wait_dma2 semaphore(%run_scoped3A : memref<!tpu.dma_semaphore, #tpu.memory_space<semaphore_mem>>) src(%dma_wait3A_171 : memref<64xf32, #tpu.memory_space<vmem>>) dst(%dma_wait3A_170 : memref<64xf32, #tpu.memory_space<hbm>>)
          tpu.yield
        }) : () -> ()
      }
      %mul3A_115 = arith.constant 64 : i32
      %mul3A_116 = arith.muli %select_n3A_104, %mul3A_115 : i32
      %add3A_117 = arith.addi %mul3A_79, %mul3A_116 : i32
      %sub3A_118 = arith.subi %scan3A_38, %add3A_117 : i32
      %add3A_119 = arith.constant 7 : i32
      %add3A_120 = arith.addi %sub3A_118, %add3A_119 : i32
      %jit3A_121 = arith.constant 8 : i32
      %div3A_122 = arith.divsi %add3A_120, %jit3A_121 : i32
      %sign3A_123 = arith.constant 0 : i32
      %sign3A_124 = arith.cmpi sgt, %add3A_120, %sign3A_123 : i32
      %sign3A_125 = arith.extui %sign3A_124 : i1 to i32
      %sign3A_126 = arith.constant 0 : i32
      %sign3A_127 = arith.cmpi slt, %add3A_120, %sign3A_126 : i32
      %sign3A_128 = arith.extui %sign3A_127 : i1 to i32
      %sign3A_129 = arith.subi %sign3A_125, %sign3A_128 : i32
      %sign3A_130 = arith.constant 0 : i32
      %sign3A_131 = arith.cmpi sgt, %jit3A_121, %sign3A_130 : i32
      %sign3A_132 = arith.extui %sign3A_131 : i1 to i32
      %sign3A_133 = arith.constant 0 : i32
      %sign3A_134 = arith.cmpi slt, %jit3A_121, %sign3A_133 : i32
      %sign3A_135 = arith.extui %sign3A_134 : i1 to i32
      %sign3A_136 = arith.subi %sign3A_132, %sign3A_135 : i32
      %ne3A_137 = arith.cmpi ne, %sign3A_129, %sign3A_136 : i32
      %rem3A_138 = arith.remsi %add3A_120, %jit3A_121 : i32
      %ne3A_139 = arith.constant 0 : i32
      %ne3A_140 = arith.cmpi ne, %rem3A_138, %ne3A_139 : i32
      %and3A_141 = arith.andi %ne3A_137, %ne3A_140 : i1
      %sub3A_142 = arith.constant 1 : i32
      %sub3A_143 = arith.subi %div3A_122, %sub3A_142 : i32
      %select_n3A_144 = arith.select %and3A_141, %sub3A_143, %div3A_122 : i32
      %while3A_145 = arith.constant 0 : i32
      %while3A_146 = arith.constant 0 : i32
      %while3A_147 = arith.subi %select_n3A_144, %while3A_146 : i32
      %while3A_148 = arith.addi %while3A_146, %while3A_147 : i32
      %while3A_149 = arith.constant 1 : i32
      %while3A_150 = arith.divsi %while3A_147, %while3A_149 : i32
      %while3A_151 = arith.muli %while3A_150, %while3A_149 : i32
      %while3A_152 = arith.addi %while3A_146, %while3A_151 : i32
      %while3A_153 = arith.constant 1 : i32
      scf.for %while3A_155 = %while3A_146 to %while3A_152 step %while3A_153  : i32 {
        %mul3A_156 = arith.constant 8 : i32
        %mul3A_157 = arith.muli %while3A_155, %mul3A_156 : i32
        %add3A_158 = arith.addi %add3A_117, %mul3A_157 : i32
        %mul3A_159 = arith.constant 8 : i32
        %mul3A_160 = arith.muli %while3A_155, %mul3A_159 : i32
        %add3A_161 = arith.addi %add3A_117, %mul3A_160 : i32
        "tpu.region"() ({
          %run_scoped3A = tpu.sem_alloc : memref<!tpu.dma_semaphore, #tpu.memory_space<semaphore_mem>>
          %dma_start3A = tpu.memref_slice %arg8[%add3A_158] : memref<20016xf32, #tpu.memory_space<vmem>> -> memref<8xf32, #tpu.memory_space<vmem>>
          %dma_start3A_162 = tpu.memref_slice %arg4[%select_n3A, %select_n3A_30, %add3A_161] : memref<8x3x20480xf32, #tpu.memory_space<hbm>> -> memref<1x1x8xf32, #tpu.memory_space<hbm>>
          %dma_start3A_163 = tpu.memref_squeeze %dma_start3A_162 : memref<1x1x8xf32, #tpu.memory_space<hbm>> -> memref<8xf32, #tpu.memory_space<hbm>>
          %dma_start3A_164 = tpu.memref_slice %arg4[%select_n3A, %select_n3A_30, %add3A_161] : memref<8x3x20480xf32, #tpu.memory_space<hbm>> -> memref<1x1x8xf32, #tpu.memory_space<hbm>>
          %dma_start3A_165 = tpu.memref_squeeze %dma_start3A_164 : memref<1x1x8xf32, #tpu.memory_space<hbm>> -> memref<8xf32, #tpu.memory_space<hbm>>
          %dma_start3A_166 = tpu.memref_slice %arg8[%add3A_158] : memref<20016xf32, #tpu.memory_space<vmem>> -> memref<8xf32, #tpu.memory_space<vmem>>
          tpu.enqueue_dma source(%dma_start3A_166 : memref<8xf32, #tpu.memory_space<vmem>>) target(%dma_start3A_165 : memref<8xf32, #tpu.memory_space<hbm>>) target_semaphore(%run_scoped3A : memref<!tpu.dma_semaphore, #tpu.memory_space<semaphore_mem>>)
          %dma_wait3A = tpu.memref_slice %arg8[%add3A_158] : memref<20016xf32, #tpu.memory_space<vmem>> -> memref<8xf32, #tpu.memory_space<vmem>>
          %dma_wait3A_167 = tpu.memref_slice %arg4[%select_n3A, %select_n3A_30, %add3A_161] : memref<8x3x20480xf32, #tpu.memory_space<hbm>> -> memref<1x1x8xf32, #tpu.memory_space<hbm>>
          %dma_wait3A_168 = tpu.memref_squeeze %dma_wait3A_167 : memref<1x1x8xf32, #tpu.memory_space<hbm>> -> memref<8xf32, #tpu.memory_space<hbm>>
          %dma_wait3A_169 = tpu.memref_slice %arg4[%select_n3A, %select_n3A_30, %add3A_161] : memref<8x3x20480xf32, #tpu.memory_space<hbm>> -> memref<1x1x8xf32, #tpu.memory_space<hbm>>
          %dma_wait3A_170 = tpu.memref_squeeze %dma_wait3A_169 : memref<1x1x8xf32, #tpu.memory_space<hbm>> -> memref<8xf32, #tpu.memory_space<hbm>>
          %dma_wait3A_171 = tpu.memref_slice %arg8[%add3A_158] : memref<20016xf32, #tpu.memory_space<vmem>> -> memref<8xf32, #tpu.memory_space<vmem>>
          tpu.wait_dma2 semaphore(%run_scoped3A : memref<!tpu.dma_semaphore, #tpu.memory_space<semaphore_mem>>) src(%dma_wait3A_171 : memref<8xf32, #tpu.memory_space<vmem>>) dst(%dma_wait3A_170 : memref<8xf32, #tpu.memory_space<hbm>>)
          tpu.yield
        }) : () -> ()
      }
      %while3A_154 = arith.constant 1 : i32
      scf.for %while3A_155 = %while3A_152 to %while3A_148 step %while3A_154  : i32 {
        %mul3A_156 = arith.constant 8 : i32
        %mul3A_157 = arith.muli %while3A_155, %mul3A_156 : i32
        %add3A_158 = arith.addi %add3A_117, %mul3A_157 : i32
        %mul3A_159 = arith.constant 8 : i32
        %mul3A_160 = arith.muli %while3A_155, %mul3A_159 : i32
        %add3A_161 = arith.addi %add3A_117, %mul3A_160 : i32
        "tpu.region"() ({
          %run_scoped3A = tpu.sem_alloc : memref<!tpu.dma_semaphore, #tpu.memory_space<semaphore_mem>>
          %dma_start3A = tpu.memref_slice %arg8[%add3A_158] : memref<20016xf32, #tpu.memory_space<vmem>> -> memref<8xf32, #tpu.memory_space<vmem>>
          %dma_start3A_162 = tpu.memref_slice %arg4[%select_n3A, %select_n3A_30, %add3A_161] : memref<8x3x20480xf32, #tpu.memory_space<hbm>> -> memref<1x1x8xf32, #tpu.memory_space<hbm>>
          %dma_start3A_163 = tpu.memref_squeeze %dma_start3A_162 : memref<1x1x8xf32, #tpu.memory_space<hbm>> -> memref<8xf32, #tpu.memory_space<hbm>>
          %dma_start3A_164 = tpu.memref_slice %arg4[%select_n3A, %select_n3A_30, %add3A_161] : memref<8x3x20480xf32, #tpu.memory_space<hbm>> -> memref<1x1x8xf32, #tpu.memory_space<hbm>>
          %dma_start3A_165 = tpu.memref_squeeze %dma_start3A_164 : memref<1x1x8xf32, #tpu.memory_space<hbm>> -> memref<8xf32, #tpu.memory_space<hbm>>
          %dma_start3A_166 = tpu.memref_slice %arg8[%add3A_158] : memref<20016xf32, #tpu.memory_space<vmem>> -> memref<8xf32, #tpu.memory_space<vmem>>
          tpu.enqueue_dma source(%dma_start3A_166 : memref<8xf32, #tpu.memory_space<vmem>>) target(%dma_start3A_165 : memref<8xf32, #tpu.memory_space<hbm>>) target_semaphore(%run_scoped3A : memref<!tpu.dma_semaphore, #tpu.memory_space<semaphore_mem>>)
          %dma_wait3A = tpu.memref_slice %arg8[%add3A_158] : memref<20016xf32, #tpu.memory_space<vmem>> -> memref<8xf32, #tpu.memory_space<vmem>>
          %dma_wait3A_167 = tpu.memref_slice %arg4[%select_n3A, %select_n3A_30, %add3A_161] : memref<8x3x20480xf32, #tpu.memory_space<hbm>> -> memref<1x1x8xf32, #tpu.memory_space<hbm>>
          %dma_wait3A_168 = tpu.memref_squeeze %dma_wait3A_167 : memref<1x1x8xf32, #tpu.memory_space<hbm>> -> memref<8xf32, #tpu.memory_space<hbm>>
          %dma_wait3A_169 = tpu.memref_slice %arg4[%select_n3A, %select_n3A_30, %add3A_161] : memref<8x3x20480xf32, #tpu.memory_space<hbm>> -> memref<1x1x8xf32, #tpu.memory_space<hbm>>
          %dma_wait3A_170 = tpu.memref_squeeze %dma_wait3A_169 : memref<1x1x8xf32, #tpu.memory_space<hbm>> -> memref<8xf32, #tpu.memory_space<hbm>>
          %dma_wait3A_171 = tpu.memref_slice %arg8[%add3A_158] : memref<20016xf32, #tpu.memory_space<vmem>> -> memref<8xf32, #tpu.memory_space<vmem>>
          tpu.wait_dma2 semaphore(%run_scoped3A : memref<!tpu.dma_semaphore, #tpu.memory_space<semaphore_mem>>) src(%dma_wait3A_171 : memref<8xf32, #tpu.memory_space<vmem>>) dst(%dma_wait3A_170 : memref<8xf32, #tpu.memory_space<hbm>>)
          tpu.yield
        }) : () -> ()
      }
    } else {
    }
    return
  }
}

module attributes {stable_mosaic.version = 14 : i64} {
  func.func @_chamfer_kernel(%arg0: i32, %arg1: memref<8x16xi32, #tpu.memory_space<smem>>, %arg2: memref<1x3x20480xf32, #tpu.memory_space<vmem>>, %arg3: memref<1x3x20480xf32, #tpu.memory_space<vmem>>, %arg4: memref<1x1x128xf32, #tpu.memory_space<vmem>>, %arg5: memref<160x128xf32, #tpu.memory_space<vmem>>, %arg6: memref<160x128xi32, #tpu.memory_space<vmem>>, %arg7: memref<3x160x128xf32, #tpu.memory_space<vmem>>) attributes {dimension_semantics = [#tpu.dimension_semantics<arbitrary>], iteration_bounds = array<i64: 4>, scalar_prefetch = 1 : i64, scratch_operands = 3 : i64, tpu.core_type = #tpu.core_type<tc>, window_params = [{transform_indices = @transform_0, window_bounds = array<i64: 1, 3, 20480>}, {transform_indices = @transform_1, window_bounds = array<i64: 1, 3, 20480>}, {transform_indices = @transform_2, window_bounds = array<i64: 1, 1, 128>}]} {
    %get3A = arith.index_cast %arg0 : i32 to index
    %get3A_0 = arith.constant 0 : index
    %get3A_1 = memref.load %arg1[%get3A, %get3A_0] : memref<8x16xi32, #tpu.memory_space<smem>>
    %add3A = arith.constant 4 : i32
    %add3A_2 = arith.addi %arg0, %add3A : i32
    %get3A_3 = arith.index_cast %add3A_2 : i32 to index
    %get3A_4 = arith.constant 0 : index
    %get3A_5 = memref.load %arg1[%get3A_3, %get3A_4] : memref<8x16xi32, #tpu.memory_space<smem>>
    %add3A_6 = arith.constant 128 : i32
    %add3A_7 = arith.addi %get3A_1, %add3A_6 : i32
    %sub3A = arith.constant 1 : i32
    %sub3A_8 = arith.subi %add3A_7, %sub3A : i32
    %jit3A = arith.constant 128 : i32
    %div3A = arith.divsi %sub3A_8, %jit3A : i32
    %sign3A = arith.constant 0 : i32
    %sign3A_9 = arith.cmpi sgt, %sub3A_8, %sign3A : i32
    %sign3A_10 = arith.extui %sign3A_9 : i1 to i32
    %sign3A_11 = arith.constant 0 : i32
    %sign3A_12 = arith.cmpi slt, %sub3A_8, %sign3A_11 : i32
    %sign3A_13 = arith.extui %sign3A_12 : i1 to i32
    %sign3A_14 = arith.subi %sign3A_10, %sign3A_13 : i32
    %sign3A_15 = arith.constant 0 : i32
    %sign3A_16 = arith.cmpi sgt, %jit3A, %sign3A_15 : i32
    %sign3A_17 = arith.extui %sign3A_16 : i1 to i32
    %sign3A_18 = arith.constant 0 : i32
    %sign3A_19 = arith.cmpi slt, %jit3A, %sign3A_18 : i32
    %sign3A_20 = arith.extui %sign3A_19 : i1 to i32
    %sign3A_21 = arith.subi %sign3A_17, %sign3A_20 : i32
    %ne3A = arith.cmpi ne, %sign3A_14, %sign3A_21 : i32
    %rem3A = arith.remsi %sub3A_8, %jit3A : i32
    %ne3A_22 = arith.constant 0 : i32
    %ne3A_23 = arith.cmpi ne, %rem3A, %ne3A_22 : i32
    %and3A = arith.andi %ne3A, %ne3A_23 : i1
    %sub3A_24 = arith.constant 1 : i32
    %sub3A_25 = arith.subi %div3A, %sub3A_24 : i32
    %select_n3A = arith.select %and3A, %sub3A_25, %div3A : i32
    %add3A_26 = arith.constant 128 : i32
    %add3A_27 = arith.addi %get3A_5, %add3A_26 : i32
    %sub3A_28 = arith.constant 1 : i32
    %sub3A_29 = arith.subi %add3A_27, %sub3A_28 : i32
    %jit3A_30 = arith.constant 128 : i32
    %div3A_31 = arith.divsi %sub3A_29, %jit3A_30 : i32
    %sign3A_32 = arith.constant 0 : i32
    %sign3A_33 = arith.cmpi sgt, %sub3A_29, %sign3A_32 : i32
    %sign3A_34 = arith.extui %sign3A_33 : i1 to i32
    %sign3A_35 = arith.constant 0 : i32
    %sign3A_36 = arith.cmpi slt, %sub3A_29, %sign3A_35 : i32
    %sign3A_37 = arith.extui %sign3A_36 : i1 to i32
    %sign3A_38 = arith.subi %sign3A_34, %sign3A_37 : i32
    %sign3A_39 = arith.constant 0 : i32
    %sign3A_40 = arith.cmpi sgt, %jit3A_30, %sign3A_39 : i32
    %sign3A_41 = arith.extui %sign3A_40 : i1 to i32
    %sign3A_42 = arith.constant 0 : i32
    %sign3A_43 = arith.cmpi slt, %jit3A_30, %sign3A_42 : i32
    %sign3A_44 = arith.extui %sign3A_43 : i1 to i32
    %sign3A_45 = arith.subi %sign3A_41, %sign3A_44 : i32
    %ne3A_46 = arith.cmpi ne, %sign3A_38, %sign3A_45 : i32
    %rem3A_47 = arith.remsi %sub3A_29, %jit3A_30 : i32
    %ne3A_48 = arith.constant 0 : i32
    %ne3A_49 = arith.cmpi ne, %rem3A_47, %ne3A_48 : i32
    %and3A_50 = arith.andi %ne3A_46, %ne3A_49 : i1
    %sub3A_51 = arith.constant 1 : i32
    %sub3A_52 = arith.subi %div3A_31, %sub3A_51 : i32
    %select_n3A_53 = arith.select %and3A_50, %sub3A_52, %div3A_31 : i32
    %broadcast_in_dim3A = arith.constant 0x7F800000 : f32
    %broadcast_in_dim3A_54 = vector.broadcast %broadcast_in_dim3A : f32 to vector<160x128xf32>
    %swap3A = arith.constant 0 : index
    %swap3A_55 = arith.constant 0 : index
    %swap3A_56 = vector.load %arg5[%swap3A, %swap3A_55] : memref<160x128xf32, #tpu.memory_space<vmem>>, vector<160x128xf32>
    tpu.vector_store %arg5[%swap3A, %swap3A_55], %broadcast_in_dim3A_54 {strides = array<i32>} : memref<160x128xf32, #tpu.memory_space<vmem>>, vector<160x128xf32>,
    %iota3A = tpu.iota {dimensions = array<i32: 1>} : vector<1x128xi32>
    %iota3A_57 = vector.shape_cast %iota3A : vector<1x128xi32> to vector<128xi32>
    %while3A = arith.constant 0 : i32
    %while3A_58 = arith.constant 0 : i32
    %while3A_59 = arith.subi %select_n3A_53, %while3A : i32
    %while3A_60 = arith.addi %while3A, %while3A_59 : i32
    %while3A_61 = arith.constant 1 : i32
    %while3A_62 = arith.divsi %while3A_59, %while3A_61 : i32
    %while3A_63 = arith.muli %while3A_62, %while3A_61 : i32
    %while3A_64 = arith.addi %while3A, %while3A_63 : i32
    %while3A_65 = arith.constant 1 : i32
    %while3A_66 = scf.for %while3A_160 = %while3A to %while3A_64 step %while3A_65 iter_args(%while3A_161 = %while3A_58) -> (i32)  : i32 {
      %mul3A_162 = arith.constant 128 : i32
      %mul3A_163 = arith.muli %while3A_160, %mul3A_162 : i32
      %add3A_164 = vector.broadcast %mul3A_163 : i32 to vector<128xi32>
      %add3A_165 = arith.addi %add3A_164, %iota3A_57 : vector<128xi32>
      %lt3A_166 = vector.broadcast %get3A_5 : i32 to vector<128xi32>
      %lt3A_167 = arith.cmpi slt, %add3A_165, %lt3A_166 : vector<128xi32>
      %mul3A_168 = arith.constant 128 : i32
      %mul3A_169 = arith.muli %while3A_160, %mul3A_168 : i32
      %get3A_170 = arith.constant 0 : index
      %get3A_171 = arith.constant 0 : index
      %get3A_172 = arith.index_cast %mul3A_169 : i32 to index
      %get3A_173 = vector.load %arg3[%get3A_170, %get3A_171, %get3A_172] : memref<1x3x20480xf32, #tpu.memory_space<vmem>>, vector<1x1x128xf32>
      %get3A_174 = vector.shape_cast %get3A_173 : vector<1x1x128xf32> to vector<128xf32>
      %jit3A_175 = arith.constant 1.000000e+09 : f32
      %broadcast_in_dim3A_176 = vector.broadcast %jit3A_175 : f32 to vector<128xf32>
      %select_n3A_177 = arith.select %lt3A_167, %get3A_174, %broadcast_in_dim3A_176 : vector<128xi1>, vector<128xf32>
      %swap3A_178 = arith.constant 0 : index
      %swap3A_179 = arith.index_cast %while3A_160 : i32 to index
      %swap3A_180 = arith.constant 0 : index
      %swap3A_181 = vector.load %arg7[%swap3A_178, %swap3A_179, %swap3A_180] : memref<3x160x128xf32, #tpu.memory_space<vmem>>, vector<1x1x128xf32>
      %swap3A_182 = vector.shape_cast %swap3A_181 : vector<1x1x128xf32> to vector<128xf32>
      %swap3A_183 = vector.shape_cast %select_n3A_177 : vector<128xf32> to vector<1x1x128xf32>
      tpu.vector_store %arg7[%swap3A_178, %swap3A_179, %swap3A_180], %swap3A_183 {strides = array<i32>} : memref<3x160x128xf32, #tpu.memory_space<vmem>>, vector<1x1x128xf32>,
      %mul3A_184 = arith.constant 128 : i32
      %mul3A_185 = arith.muli %while3A_160, %mul3A_184 : i32
      %get3A_186 = arith.constant 0 : index
      %get3A_187 = arith.constant 1 : index
      %get3A_188 = arith.index_cast %mul3A_185 : i32 to index
      %get3A_189 = vector.load %arg3[%get3A_186, %get3A_187, %get3A_188] : memref<1x3x20480xf32, #tpu.memory_space<vmem>>, vector<1x1x128xf32>
      %get3A_190 = vector.shape_cast %get3A_189 : vector<1x1x128xf32> to vector<128xf32>
      %jit3A_191 = arith.constant 1.000000e+09 : f32
      %broadcast_in_dim3A_192 = vector.broadcast %jit3A_191 : f32 to vector<128xf32>
      %select_n3A_193 = arith.select %lt3A_167, %get3A_190, %broadcast_in_dim3A_192 : vector<128xi1>, vector<128xf32>
      %swap3A_194 = arith.constant 1 : index
      %swap3A_195 = arith.index_cast %while3A_160 : i32 to index
      %swap3A_196 = arith.constant 0 : index
      %swap3A_197 = vector.load %arg7[%swap3A_194, %swap3A_195, %swap3A_196] : memref<3x160x128xf32, #tpu.memory_space<vmem>>, vector<1x1x128xf32>
      %swap3A_198 = vector.shape_cast %swap3A_197 : vector<1x1x128xf32> to vector<128xf32>
      %swap3A_199 = vector.shape_cast %select_n3A_193 : vector<128xf32> to vector<1x1x128xf32>
      tpu.vector_store %arg7[%swap3A_194, %swap3A_195, %swap3A_196], %swap3A_199 {strides = array<i32>} : memref<3x160x128xf32, #tpu.memory_space<vmem>>, vector<1x1x128xf32>,
      %mul3A_200 = arith.constant 128 : i32
      %mul3A_201 = arith.muli %while3A_160, %mul3A_200 : i32
      %get3A_202 = arith.constant 0 : index
      %get3A_203 = arith.constant 2 : index
      %get3A_204 = arith.index_cast %mul3A_201 : i32 to index
      %get3A_205 = vector.load %arg3[%get3A_202, %get3A_203, %get3A_204] : memref<1x3x20480xf32, #tpu.memory_space<vmem>>, vector<1x1x128xf32>
      %get3A_206 = vector.shape_cast %get3A_205 : vector<1x1x128xf32> to vector<128xf32>
      %jit3A_207 = arith.constant 1.000000e+09 : f32
      %broadcast_in_dim3A_208 = vector.broadcast %jit3A_207 : f32 to vector<128xf32>
      %select_n3A_209 = arith.select %lt3A_167, %get3A_206, %broadcast_in_dim3A_208 : vector<128xi1>, vector<128xf32>
      %swap3A_210 = arith.constant 2 : index
      %swap3A_211 = arith.index_cast %while3A_160 : i32 to index
      %swap3A_212 = arith.constant 0 : index
      %swap3A_213 = vector.load %arg7[%swap3A_210, %swap3A_211, %swap3A_212] : memref<3x160x128xf32, #tpu.memory_space<vmem>>, vector<1x1x128xf32>
      %swap3A_214 = vector.shape_cast %swap3A_213 : vector<1x1x128xf32> to vector<128xf32>
      %swap3A_215 = vector.shape_cast %select_n3A_209 : vector<128xf32> to vector<1x1x128xf32>
      tpu.vector_store %arg7[%swap3A_210, %swap3A_211, %swap3A_212], %swap3A_215 {strides = array<i32>} : memref<3x160x128xf32, #tpu.memory_space<vmem>>, vector<1x1x128xf32>,
      %while3A_216 = arith.constant 0 : i32
      scf.yield %while3A_216 : i32
    }
    %while3A_67 = arith.constant 1 : i32
    %while3A_68 = scf.for %while3A_160 = %while3A_64 to %while3A_60 step %while3A_67 iter_args(%while3A_161 = %while3A_66) -> (i32)  : i32 {
      %mul3A_162 = arith.constant 128 : i32
      %mul3A_163 = arith.muli %while3A_160, %mul3A_162 : i32
      %add3A_164 = vector.broadcast %mul3A_163 : i32 to vector<128xi32>
      %add3A_165 = arith.addi %add3A_164, %iota3A_57 : vector<128xi32>
      %lt3A_166 = vector.broadcast %get3A_5 : i32 to vector<128xi32>
      %lt3A_167 = arith.cmpi slt, %add3A_165, %lt3A_166 : vector<128xi32>
      %mul3A_168 = arith.constant 128 : i32
      %mul3A_169 = arith.muli %while3A_160, %mul3A_168 : i32
      %get3A_170 = arith.constant 0 : index
      %get3A_171 = arith.constant 0 : index
      %get3A_172 = arith.index_cast %mul3A_169 : i32 to index
      %get3A_173 = vector.load %arg3[%get3A_170, %get3A_171, %get3A_172] : memref<1x3x20480xf32, #tpu.memory_space<vmem>>, vector<1x1x128xf32>
      %get3A_174 = vector.shape_cast %get3A_173 : vector<1x1x128xf32> to vector<128xf32>
      %jit3A_175 = arith.constant 1.000000e+09 : f32
      %broadcast_in_dim3A_176 = vector.broadcast %jit3A_175 : f32 to vector<128xf32>
      %select_n3A_177 = arith.select %lt3A_167, %get3A_174, %broadcast_in_dim3A_176 : vector<128xi1>, vector<128xf32>
      %swap3A_178 = arith.constant 0 : index
      %swap3A_179 = arith.index_cast %while3A_160 : i32 to index
      %swap3A_180 = arith.constant 0 : index
      %swap3A_181 = vector.load %arg7[%swap3A_178, %swap3A_179, %swap3A_180] : memref<3x160x128xf32, #tpu.memory_space<vmem>>, vector<1x1x128xf32>
      %swap3A_182 = vector.shape_cast %swap3A_181 : vector<1x1x128xf32> to vector<128xf32>
      %swap3A_183 = vector.shape_cast %select_n3A_177 : vector<128xf32> to vector<1x1x128xf32>
      tpu.vector_store %arg7[%swap3A_178, %swap3A_179, %swap3A_180], %swap3A_183 {strides = array<i32>} : memref<3x160x128xf32, #tpu.memory_space<vmem>>, vector<1x1x128xf32>,
      %mul3A_184 = arith.constant 128 : i32
      %mul3A_185 = arith.muli %while3A_160, %mul3A_184 : i32
      %get3A_186 = arith.constant 0 : index
      %get3A_187 = arith.constant 1 : index
      %get3A_188 = arith.index_cast %mul3A_185 : i32 to index
      %get3A_189 = vector.load %arg3[%get3A_186, %get3A_187, %get3A_188] : memref<1x3x20480xf32, #tpu.memory_space<vmem>>, vector<1x1x128xf32>
      %get3A_190 = vector.shape_cast %get3A_189 : vector<1x1x128xf32> to vector<128xf32>
      %jit3A_191 = arith.constant 1.000000e+09 : f32
      %broadcast_in_dim3A_192 = vector.broadcast %jit3A_191 : f32 to vector<128xf32>
      %select_n3A_193 = arith.select %lt3A_167, %get3A_190, %broadcast_in_dim3A_192 : vector<128xi1>, vector<128xf32>
      %swap3A_194 = arith.constant 1 : index
      %swap3A_195 = arith.index_cast %while3A_160 : i32 to index
      %swap3A_196 = arith.constant 0 : index
      %swap3A_197 = vector.load %arg7[%swap3A_194, %swap3A_195, %swap3A_196] : memref<3x160x128xf32, #tpu.memory_space<vmem>>, vector<1x1x128xf32>
      %swap3A_198 = vector.shape_cast %swap3A_197 : vector<1x1x128xf32> to vector<128xf32>
      %swap3A_199 = vector.shape_cast %select_n3A_193 : vector<128xf32> to vector<1x1x128xf32>
      tpu.vector_store %arg7[%swap3A_194, %swap3A_195, %swap3A_196], %swap3A_199 {strides = array<i32>} : memref<3x160x128xf32, #tpu.memory_space<vmem>>, vector<1x1x128xf32>,
      %mul3A_200 = arith.constant 128 : i32
      %mul3A_201 = arith.muli %while3A_160, %mul3A_200 : i32
      %get3A_202 = arith.constant 0 : index
      %get3A_203 = arith.constant 2 : index
      %get3A_204 = arith.index_cast %mul3A_201 : i32 to index
      %get3A_205 = vector.load %arg3[%get3A_202, %get3A_203, %get3A_204] : memref<1x3x20480xf32, #tpu.memory_space<vmem>>, vector<1x1x128xf32>
      %get3A_206 = vector.shape_cast %get3A_205 : vector<1x1x128xf32> to vector<128xf32>
      %jit3A_207 = arith.constant 1.000000e+09 : f32
      %broadcast_in_dim3A_208 = vector.broadcast %jit3A_207 : f32 to vector<128xf32>
      %select_n3A_209 = arith.select %lt3A_167, %get3A_206, %broadcast_in_dim3A_208 : vector<128xi1>, vector<128xf32>
      %swap3A_210 = arith.constant 2 : index
      %swap3A_211 = arith.index_cast %while3A_160 : i32 to index
      %swap3A_212 = arith.constant 0 : index
      %swap3A_213 = vector.load %arg7[%swap3A_210, %swap3A_211, %swap3A_212] : memref<3x160x128xf32, #tpu.memory_space<vmem>>, vector<1x1x128xf32>
      %swap3A_214 = vector.shape_cast %swap3A_213 : vector<1x1x128xf32> to vector<128xf32>
      %swap3A_215 = vector.shape_cast %select_n3A_209 : vector<128xf32> to vector<1x1x128xf32>
      tpu.vector_store %arg7[%swap3A_210, %swap3A_211, %swap3A_212], %swap3A_215 {strides = array<i32>} : memref<3x160x128xf32, #tpu.memory_space<vmem>>, vector<1x1x128xf32>,
      %while3A_216 = arith.constant 0 : i32
      scf.yield %while3A_216 : i32
    }
    %while3A_69 = arith.constant 0 : i32
    %while3A_70 = arith.constant 0 : i32
    %while3A_71 = arith.subi %select_n3A, %while3A_69 : i32
    %while3A_72 = arith.addi %while3A_69, %while3A_71 : i32
    %while3A_73 = arith.constant 1 : i32
    %while3A_74 = arith.divsi %while3A_71, %while3A_73 : i32
    %while3A_75 = arith.muli %while3A_74, %while3A_73 : i32
    %while3A_76 = arith.addi %while3A_69, %while3A_75 : i32
    %while3A_77 = arith.constant 1 : i32
    %while3A_78 = scf.for %while3A_160 = %while3A_69 to %while3A_76 step %while3A_77 iter_args(%while3A_161 = %while3A_70) -> (i32)  : i32 {
      %mul3A_162 = arith.constant 128 : i32
      %mul3A_163 = arith.muli %while3A_160, %mul3A_162 : i32
      %get3A_164 = arith.constant 0 : index
      %get3A_165 = arith.constant 0 : index
      %get3A_166 = arith.index_cast %mul3A_163 : i32 to index
      %get3A_167 = vector.load %arg2[%get3A_164, %get3A_165, %get3A_166] : memref<1x3x20480xf32, #tpu.memory_space<vmem>>, vector<1x1x128xf32>
      %get3A_168 = vector.shape_cast %get3A_167 : vector<1x1x128xf32> to vector<128xf32>
      %reshape3A = vector.shape_cast %get3A_168 : vector<128xf32> to vector<128x1xf32>
      %get3A_169 = arith.constant 0 : index
      %get3A_170 = arith.constant 1 : index
      %get3A_171 = arith.index_cast %mul3A_163 : i32 to index
      %get3A_172 = vector.load %arg2[%get3A_169, %get3A_170, %get3A_171] : memref<1x3x20480xf32, #tpu.memory_space<vmem>>, vector<1x1x128xf32>
      %get3A_173 = vector.shape_cast %get3A_172 : vector<1x1x128xf32> to vector<128xf32>
      %reshape3A_174 = vector.shape_cast %get3A_173 : vector<128xf32> to vector<128x1xf32>
      %get3A_175 = arith.constant 0 : index
      %get3A_176 = arith.constant 2 : index
      %get3A_177 = arith.index_cast %mul3A_163 : i32 to index
      %get3A_178 = vector.load %arg2[%get3A_175, %get3A_176, %get3A_177] : memref<1x3x20480xf32, #tpu.memory_space<vmem>>, vector<1x1x128xf32>
      %get3A_179 = vector.shape_cast %get3A_178 : vector<1x1x128xf32> to vector<128xf32>
      %reshape3A_180 = vector.shape_cast %get3A_179 : vector<128xf32> to vector<128x1xf32>
      %jit3A_181 = arith.constant 2 : i32
      %div3A_182 = arith.divsi %select_n3A_53, %jit3A_181 : i32
      %sign3A_183 = arith.constant 0 : i32
      %sign3A_184 = arith.cmpi sgt, %select_n3A_53, %sign3A_183 : i32
      %sign3A_185 = arith.extui %sign3A_184 : i1 to i32
      %sign3A_186 = arith.constant 0 : i32
      %sign3A_187 = arith.cmpi slt, %select_n3A_53, %sign3A_186 : i32
      %sign3A_188 = arith.extui %sign3A_187 : i1 to i32
      %sign3A_189 = arith.subi %sign3A_185, %sign3A_188 : i32
      %sign3A_190 = arith.constant 0 : i32
      %sign3A_191 = arith.cmpi sgt, %jit3A_181, %sign3A_190 : i32
      %sign3A_192 = arith.extui %sign3A_191 : i1 to i32
      %sign3A_193 = arith.constant 0 : i32
      %sign3A_194 = arith.cmpi slt, %jit3A_181, %sign3A_193 : i32
      %sign3A_195 = arith.extui %sign3A_194 : i1 to i32
      %sign3A_196 = arith.subi %sign3A_192, %sign3A_195 : i32
      %ne3A_197 = arith.cmpi ne, %sign3A_189, %sign3A_196 : i32
      %rem3A_198 = arith.remsi %select_n3A_53, %jit3A_181 : i32
      %ne3A_199 = arith.constant 0 : i32
      %ne3A_200 = arith.cmpi ne, %rem3A_198, %ne3A_199 : i32
      %and3A_201 = arith.andi %ne3A_197, %ne3A_200 : i1
      %sub3A_202 = arith.constant 1 : i32
      %sub3A_203 = arith.subi %div3A_182, %sub3A_202 : i32
      %select_n3A_204 = arith.select %and3A_201, %sub3A_203, %div3A_182 : i32
      %broadcast_in_dim3A_205 = arith.constant 0x7F800000 : f32
      %broadcast_in_dim3A_206 = vector.broadcast %broadcast_in_dim3A_205 : f32 to vector<128x128xf32>
      %while3A_207 = arith.constant 0 : i32
      %while3A_208 = arith.subi %select_n3A_204, %while3A_207 : i32
      %while3A_209 = arith.addi %while3A_207, %while3A_208 : i32
      %while3A_210 = arith.constant 1 : i32
      %while3A_211 = arith.divsi %while3A_208, %while3A_210 : i32
      %while3A_212 = arith.muli %while3A_211, %while3A_210 : i32
      %while3A_213 = arith.addi %while3A_207, %while3A_212 : i32
      %while3A_214 = arith.constant 1 : i32
      %while3A_215 = scf.for %while3A_245 = %while3A_207 to %while3A_213 step %while3A_214 iter_args(%while3A_246 = %broadcast_in_dim3A_206) -> (vector<128x128xf32>)  : i32 {
        %mul3A_247 = arith.constant 2 : i32
        %mul3A_248 = arith.muli %mul3A_247, %while3A_245 : i32
        %add3A_249 = arith.constant 1 : i32
        %add3A_250 = arith.addi %mul3A_248, %add3A_249 : i32
        %mul3A_251 = arith.constant 2 : i32
        %mul3A_252 = arith.muli %mul3A_251, %while3A_245 : i32
        %get3A_253 = arith.constant 0 : index
        %get3A_254 = arith.index_cast %mul3A_252 : i32 to index
        %get3A_255 = arith.constant 0 : index
        %get3A_256 = vector.load %arg7[%get3A_253, %get3A_254, %get3A_255] : memref<3x160x128xf32, #tpu.memory_space<vmem>>, vector<1x1x128xf32>
        %get3A_257 = vector.shape_cast %get3A_256 : vector<1x1x128xf32> to vector<128xf32>
        %reshape3A_258 = vector.shape_cast %get3A_257 : vector<128xf32> to vector<1x128xf32>
        %get3A_259 = arith.constant 1 : index
        %get3A_260 = arith.index_cast %mul3A_252 : i32 to index
        %get3A_261 = arith.constant 0 : index
        %get3A_262 = vector.load %arg7[%get3A_259, %get3A_260, %get3A_261] : memref<3x160x128xf32, #tpu.memory_space<vmem>>, vector<1x1x128xf32>
        %get3A_263 = vector.shape_cast %get3A_262 : vector<1x1x128xf32> to vector<128xf32>
        %reshape3A_264 = vector.shape_cast %get3A_263 : vector<128xf32> to vector<1x128xf32>
        %get3A_265 = arith.constant 2 : index
        %get3A_266 = arith.index_cast %mul3A_252 : i32 to index
        %get3A_267 = arith.constant 0 : index
        %get3A_268 = vector.load %arg7[%get3A_265, %get3A_266, %get3A_267] : memref<3x160x128xf32, #tpu.memory_space<vmem>>, vector<1x1x128xf32>
        %get3A_269 = vector.shape_cast %get3A_268 : vector<1x1x128xf32> to vector<128xf32>
        %reshape3A_270 = vector.shape_cast %get3A_269 : vector<128xf32> to vector<1x128xf32>
        %sub3A_271 = vector.broadcast %reshape3A : vector<128x1xf32> to vector<128x128xf32>
        %sub3A_272 = vector.broadcast %reshape3A_258 : vector<1x128xf32> to vector<128x128xf32>
        %sub3A_273 = arith.subf %sub3A_271, %sub3A_272 : vector<128x128xf32>
        %mul3A_274 = arith.mulf %sub3A_273, %sub3A_273 : vector<128x128xf32>
        %sub3A_275 = vector.broadcast %reshape3A_174 : vector<128x1xf32> to vector<128x128xf32>
        %sub3A_276 = vector.broadcast %reshape3A_264 : vector<1x128xf32> to vector<128x128xf32>
        %sub3A_277 = arith.subf %sub3A_275, %sub3A_276 : vector<128x128xf32>
        %mul3A_278 = arith.mulf %sub3A_277, %sub3A_277 : vector<128x128xf32>
        %add3A_279 = arith.addf %mul3A_274, %mul3A_278 : vector<128x128xf32>
        %sub3A_280 = vector.broadcast %reshape3A_180 : vector<128x1xf32> to vector<128x128xf32>
        %sub3A_281 = vector.broadcast %reshape3A_270 : vector<1x128xf32> to vector<128x128xf32>
        %sub3A_282 = arith.subf %sub3A_280, %sub3A_281 : vector<128x128xf32>
        %mul3A_283 = arith.mulf %sub3A_282, %sub3A_282 : vector<128x128xf32>
        %add3A_284 = arith.addf %add3A_279, %mul3A_283 : vector<128x128xf32>
        %min3A = arith.minimumf %while3A_246, %add3A_284 : vector<128x128xf32>
        %get3A_285 = arith.constant 0 : index
        %get3A_286 = arith.index_cast %add3A_250 : i32 to index
        %get3A_287 = arith.constant 0 : index
        %get3A_288 = vector.load %arg7[%get3A_285, %get3A_286, %get3A_287] : memref<3x160x128xf32, #tpu.memory_space<vmem>>, vector<1x1x128xf32>
        %get3A_289 = vector.shape_cast %get3A_288 : vector<1x1x128xf32> to vector<128xf32>
        %reshape3A_290 = vector.shape_cast %get3A_289 : vector<128xf32> to vector<1x128xf32>
        %get3A_291 = arith.constant 1 : index
        %get3A_292 = arith.index_cast %add3A_250 : i32 to index
        %get3A_293 = arith.constant 0 : index
        %get3A_294 = vector.load %arg7[%get3A_291, %get3A_292, %get3A_293] : memref<3x160x128xf32, #tpu.memory_space<vmem>>, vector<1x1x128xf32>
        %get3A_295 = vector.shape_cast %get3A_294 : vector<1x1x128xf32> to vector<128xf32>
        %reshape3A_296 = vector.shape_cast %get3A_295 : vector<128xf32> to vector<1x128xf32>
        %get3A_297 = arith.constant 2 : index
        %get3A_298 = arith.index_cast %add3A_250 : i32 to index
        %get3A_299 = arith.constant 0 : index
        %get3A_300 = vector.load %arg7[%get3A_297, %get3A_298, %get3A_299] : memref<3x160x128xf32, #tpu.memory_space<vmem>>, vector<1x1x128xf32>
        %get3A_301 = vector.shape_cast %get3A_300 : vector<1x1x128xf32> to vector<128xf32>
        %reshape3A_302 = vector.shape_cast %get3A_301 : vector<128xf32> to vector<1x128xf32>
        %sub3A_303 = vector.broadcast %reshape3A : vector<128x1xf32> to vector<128x128xf32>
        %sub3A_304 = vector.broadcast %reshape3A_290 : vector<1x128xf32> to vector<128x128xf32>
        %sub3A_305 = arith.subf %sub3A_303, %sub3A_304 : vector<128x128xf32>
        %mul3A_306 = arith.mulf %sub3A_305, %sub3A_305 : vector<128x128xf32>
        %sub3A_307 = vector.broadcast %reshape3A_174 : vector<128x1xf32> to vector<128x128xf32>
        %sub3A_308 = vector.broadcast %reshape3A_296 : vector<1x128xf32> to vector<128x128xf32>
        %sub3A_309 = arith.subf %sub3A_307, %sub3A_308 : vector<128x128xf32>
        %mul3A_310 = arith.mulf %sub3A_309, %sub3A_309 : vector<128x128xf32>
        %add3A_311 = arith.addf %mul3A_306, %mul3A_310 : vector<128x128xf32>
        %sub3A_312 = vector.broadcast %reshape3A_180 : vector<128x1xf32> to vector<128x128xf32>
        %sub3A_313 = vector.broadcast %reshape3A_302 : vector<1x128xf32> to vector<128x128xf32>
        %sub3A_314 = arith.subf %sub3A_312, %sub3A_313 : vector<128x128xf32>
        %mul3A_315 = arith.mulf %sub3A_314, %sub3A_314 : vector<128x128xf32>
        %add3A_316 = arith.addf %add3A_311, %mul3A_315 : vector<128x128xf32>
        %min3A_317 = arith.minimumf %min3A, %add3A_316 : vector<128x128xf32>
        scf.yield %min3A_317 : vector<128x128xf32>
      }
      %while3A_216 = arith.constant 1 : i32
      %while3A_217 = scf.for %while3A_245 = %while3A_213 to %while3A_209 step %while3A_216 iter_args(%while3A_246 = %while3A_215) -> (vector<128x128xf32>)  : i32 {
        %mul3A_247 = arith.constant 2 : i32
        %mul3A_248 = arith.muli %mul3A_247, %while3A_245 : i32
        %add3A_249 = arith.constant 1 : i32
        %add3A_250 = arith.addi %mul3A_248, %add3A_249 : i32
        %mul3A_251 = arith.constant 2 : i32
        %mul3A_252 = arith.muli %mul3A_251, %while3A_245 : i32
        %get3A_253 = arith.constant 0 : index
        %get3A_254 = arith.index_cast %mul3A_252 : i32 to index
        %get3A_255 = arith.constant 0 : index
        %get3A_256 = vector.load %arg7[%get3A_253, %get3A_254, %get3A_255] : memref<3x160x128xf32, #tpu.memory_space<vmem>>, vector<1x1x128xf32>
        %get3A_257 = vector.shape_cast %get3A_256 : vector<1x1x128xf32> to vector<128xf32>
        %reshape3A_258 = vector.shape_cast %get3A_257 : vector<128xf32> to vector<1x128xf32>
        %get3A_259 = arith.constant 1 : index
        %get3A_260 = arith.index_cast %mul3A_252 : i32 to index
        %get3A_261 = arith.constant 0 : index
        %get3A_262 = vector.load %arg7[%get3A_259, %get3A_260, %get3A_261] : memref<3x160x128xf32, #tpu.memory_space<vmem>>, vector<1x1x128xf32>
        %get3A_263 = vector.shape_cast %get3A_262 : vector<1x1x128xf32> to vector<128xf32>
        %reshape3A_264 = vector.shape_cast %get3A_263 : vector<128xf32> to vector<1x128xf32>
        %get3A_265 = arith.constant 2 : index
        %get3A_266 = arith.index_cast %mul3A_252 : i32 to index
        %get3A_267 = arith.constant 0 : index
        %get3A_268 = vector.load %arg7[%get3A_265, %get3A_266, %get3A_267] : memref<3x160x128xf32, #tpu.memory_space<vmem>>, vector<1x1x128xf32>
        %get3A_269 = vector.shape_cast %get3A_268 : vector<1x1x128xf32> to vector<128xf32>
        %reshape3A_270 = vector.shape_cast %get3A_269 : vector<128xf32> to vector<1x128xf32>
        %sub3A_271 = vector.broadcast %reshape3A : vector<128x1xf32> to vector<128x128xf32>
        %sub3A_272 = vector.broadcast %reshape3A_258 : vector<1x128xf32> to vector<128x128xf32>
        %sub3A_273 = arith.subf %sub3A_271, %sub3A_272 : vector<128x128xf32>
        %mul3A_274 = arith.mulf %sub3A_273, %sub3A_273 : vector<128x128xf32>
        %sub3A_275 = vector.broadcast %reshape3A_174 : vector<128x1xf32> to vector<128x128xf32>
        %sub3A_276 = vector.broadcast %reshape3A_264 : vector<1x128xf32> to vector<128x128xf32>
        %sub3A_277 = arith.subf %sub3A_275, %sub3A_276 : vector<128x128xf32>
        %mul3A_278 = arith.mulf %sub3A_277, %sub3A_277 : vector<128x128xf32>
        %add3A_279 = arith.addf %mul3A_274, %mul3A_278 : vector<128x128xf32>
        %sub3A_280 = vector.broadcast %reshape3A_180 : vector<128x1xf32> to vector<128x128xf32>
        %sub3A_281 = vector.broadcast %reshape3A_270 : vector<1x128xf32> to vector<128x128xf32>
        %sub3A_282 = arith.subf %sub3A_280, %sub3A_281 : vector<128x128xf32>
        %mul3A_283 = arith.mulf %sub3A_282, %sub3A_282 : vector<128x128xf32>
        %add3A_284 = arith.addf %add3A_279, %mul3A_283 : vector<128x128xf32>
        %min3A = arith.minimumf %while3A_246, %add3A_284 : vector<128x128xf32>
        %get3A_285 = arith.constant 0 : index
        %get3A_286 = arith.index_cast %add3A_250 : i32 to index
        %get3A_287 = arith.constant 0 : index
        %get3A_288 = vector.load %arg7[%get3A_285, %get3A_286, %get3A_287] : memref<3x160x128xf32, #tpu.memory_space<vmem>>, vector<1x1x128xf32>
        %get3A_289 = vector.shape_cast %get3A_288 : vector<1x1x128xf32> to vector<128xf32>
        %reshape3A_290 = vector.shape_cast %get3A_289 : vector<128xf32> to vector<1x128xf32>
        %get3A_291 = arith.constant 1 : index
        %get3A_292 = arith.index_cast %add3A_250 : i32 to index
        %get3A_293 = arith.constant 0 : index
        %get3A_294 = vector.load %arg7[%get3A_291, %get3A_292, %get3A_293] : memref<3x160x128xf32, #tpu.memory_space<vmem>>, vector<1x1x128xf32>
        %get3A_295 = vector.shape_cast %get3A_294 : vector<1x1x128xf32> to vector<128xf32>
        %reshape3A_296 = vector.shape_cast %get3A_295 : vector<128xf32> to vector<1x128xf32>
        %get3A_297 = arith.constant 2 : index
        %get3A_298 = arith.index_cast %add3A_250 : i32 to index
        %get3A_299 = arith.constant 0 : index
        %get3A_300 = vector.load %arg7[%get3A_297, %get3A_298, %get3A_299] : memref<3x160x128xf32, #tpu.memory_space<vmem>>, vector<1x1x128xf32>
        %get3A_301 = vector.shape_cast %get3A_300 : vector<1x1x128xf32> to vector<128xf32>
        %reshape3A_302 = vector.shape_cast %get3A_301 : vector<128xf32> to vector<1x128xf32>
        %sub3A_303 = vector.broadcast %reshape3A : vector<128x1xf32> to vector<128x128xf32>
        %sub3A_304 = vector.broadcast %reshape3A_290 : vector<1x128xf32> to vector<128x128xf32>
        %sub3A_305 = arith.subf %sub3A_303, %sub3A_304 : vector<128x128xf32>
        %mul3A_306 = arith.mulf %sub3A_305, %sub3A_305 : vector<128x128xf32>
        %sub3A_307 = vector.broadcast %reshape3A_174 : vector<128x1xf32> to vector<128x128xf32>
        %sub3A_308 = vector.broadcast %reshape3A_296 : vector<1x128xf32> to vector<128x128xf32>
        %sub3A_309 = arith.subf %sub3A_307, %sub3A_308 : vector<128x128xf32>
        %mul3A_310 = arith.mulf %sub3A_309, %sub3A_309 : vector<128x128xf32>
        %add3A_311 = arith.addf %mul3A_306, %mul3A_310 : vector<128x128xf32>
        %sub3A_312 = vector.broadcast %reshape3A_180 : vector<128x1xf32> to vector<128x128xf32>
        %sub3A_313 = vector.broadcast %reshape3A_302 : vector<1x128xf32> to vector<128x128xf32>
        %sub3A_314 = arith.subf %sub3A_312, %sub3A_313 : vector<128x128xf32>
        %mul3A_315 = arith.mulf %sub3A_314, %sub3A_314 : vector<128x128xf32>
        %add3A_316 = arith.addf %add3A_311, %mul3A_315 : vector<128x128xf32>
        %min3A_317 = arith.minimumf %min3A, %add3A_316 : vector<128x128xf32>
        scf.yield %min3A_317 : vector<128x128xf32>
      }
      %jit3A_218 = arith.constant 2 : i32
      %eq3A = arith.constant 0 : i32
      %eq3A_219 = arith.cmpi eq, %jit3A_218, %eq3A : i32
      %jit3A_220 = arith.constant 1 : i32
      %select_n3A_221 = arith.select %eq3A_219, %jit3A_220, %jit3A_218 : i32
      %rem3A_222 = arith.remsi %select_n3A_53, %select_n3A_221 : i32
      %ne3A_223 = arith.constant 0 : i32
      %ne3A_224 = arith.cmpi ne, %rem3A_222, %ne3A_223 : i32
      %lt3A_225 = arith.constant 0 : i32
      %lt3A_226 = arith.cmpi slt, %rem3A_222, %lt3A_225 : i32
      %lt3A_227 = arith.constant 0 : i32
      %lt3A_228 = arith.cmpi slt, %select_n3A_221, %lt3A_227 : i32
      %ne3A_229 = arith.xori %lt3A_226, %lt3A_228 : i1
      %and3A_230 = arith.andi %ne3A_229, %ne3A_224 : i1
      %add3A_231 = arith.addi %rem3A_222, %select_n3A_221 : i32
      %select_n3A_232 = arith.select %and3A_230, %add3A_231, %rem3A_222 : i32
      %eq3A_233 = arith.constant 1 : i32
      %eq3A_234 = arith.cmpi eq, %select_n3A_232, %eq3A_233 : i32
      %convert_element_type3A_235 = arith.extui %eq3A_234 : i1 to i32
      %cond3A = arith.constant 0 : i32
      %cond3A_236 = arith.cmpi ne, %convert_element_type3A_235, %cond3A : i32
      %cond3A_237 = scf.if %cond3A_236 -> (vector<128x128xf32>) {
        %sub3A_245 = arith.constant 1 : i32
        %sub3A_246 = arith.subi %select_n3A_53, %sub3A_245 : i32
        %get3A_247 = arith.constant 0 : index
        %get3A_248 = arith.index_cast %sub3A_246 : i32 to index
        %get3A_249 = arith.constant 0 : index
        %get3A_250 = vector.load %arg7[%get3A_247, %get3A_248, %get3A_249] : memref<3x160x128xf32, #tpu.memory_space<vmem>>, vector<1x1x128xf32>
        %get3A_251 = vector.shape_cast %get3A_250 : vector<1x1x128xf32> to vector<128xf32>
        %reshape3A_252 = vector.shape_cast %get3A_251 : vector<128xf32> to vector<1x128xf32>
        %get3A_253 = arith.constant 1 : index
        %get3A_254 = arith.index_cast %sub3A_246 : i32 to index
        %get3A_255 = arith.constant 0 : index
        %get3A_256 = vector.load %arg7[%get3A_253, %get3A_254, %get3A_255] : memref<3x160x128xf32, #tpu.memory_space<vmem>>, vector<1x1x128xf32>
        %get3A_257 = vector.shape_cast %get3A_256 : vector<1x1x128xf32> to vector<128xf32>
        %reshape3A_258 = vector.shape_cast %get3A_257 : vector<128xf32> to vector<1x128xf32>
        %get3A_259 = arith.constant 2 : index
        %get3A_260 = arith.index_cast %sub3A_246 : i32 to index
        %get3A_261 = arith.constant 0 : index
        %get3A_262 = vector.load %arg7[%get3A_259, %get3A_260, %get3A_261] : memref<3x160x128xf32, #tpu.memory_space<vmem>>, vector<1x1x128xf32>
        %get3A_263 = vector.shape_cast %get3A_262 : vector<1x1x128xf32> to vector<128xf32>
        %reshape3A_264 = vector.shape_cast %get3A_263 : vector<128xf32> to vector<1x128xf32>
        %sub3A_265 = vector.broadcast %reshape3A : vector<128x1xf32> to vector<128x128xf32>
        %sub3A_266 = vector.broadcast %reshape3A_252 : vector<1x128xf32> to vector<128x128xf32>
        %sub3A_267 = arith.subf %sub3A_265, %sub3A_266 : vector<128x128xf32>
        %mul3A_268 = arith.mulf %sub3A_267, %sub3A_267 : vector<128x128xf32>
        %sub3A_269 = vector.broadcast %reshape3A_174 : vector<128x1xf32> to vector<128x128xf32>
        %sub3A_270 = vector.broadcast %reshape3A_258 : vector<1x128xf32> to vector<128x128xf32>
        %sub3A_271 = arith.subf %sub3A_269, %sub3A_270 : vector<128x128xf32>
        %mul3A_272 = arith.mulf %sub3A_271, %sub3A_271 : vector<128x128xf32>
        %add3A_273 = arith.addf %mul3A_268, %mul3A_272 : vector<128x128xf32>
        %sub3A_274 = vector.broadcast %reshape3A_180 : vector<128x1xf32> to vector<128x128xf32>
        %sub3A_275 = vector.broadcast %reshape3A_264 : vector<1x128xf32> to vector<128x128xf32>
        %sub3A_276 = arith.subf %sub3A_274, %sub3A_275 : vector<128x128xf32>
        %mul3A_277 = arith.mulf %sub3A_276, %sub3A_276 : vector<128x128xf32>
        %add3A_278 = arith.addf %add3A_273, %mul3A_277 : vector<128x128xf32>
        %min3A = arith.minimumf %while3A_217, %add3A_278 : vector<128x128xf32>
        scf.yield %min3A : vector<128x128xf32>
      } else {
        scf.yield %while3A_217 : vector<128x128xf32>
      }
      %reduce_min3A = arith.constant dense<0x7F800000> : vector<128xf32>
      %reduce_min3A_238 = vector.multi_reduction <minimumf>, %cond3A_237, %reduce_min3A [1] : vector<128x128xf32> to vector<128xf32>
      %swap3A_239 = arith.index_cast %while3A_160 : i32 to index
      %swap3A_240 = arith.constant 0 : index
      %swap3A_241 = vector.load %arg5[%swap3A_239, %swap3A_240] : memref<160x128xf32, #tpu.memory_space<vmem>>, vector<1x128xf32>
      %swap3A_242 = vector.shape_cast %swap3A_241 : vector<1x128xf32> to vector<128xf32>
      %swap3A_243 = vector.shape_cast %reduce_min3A_238 : vector<128xf32> to vector<1x128xf32>
      tpu.vector_store %arg5[%swap3A_239, %swap3A_240], %swap3A_243 {strides = array<i32>} : memref<160x128xf32, #tpu.memory_space<vmem>>, vector<1x128xf32>,
      %while3A_244 = arith.constant 0 : i32
      scf.yield %while3A_244 : i32
    }
    %while3A_79 = arith.constant 1 : i32
    %while3A_80 = scf.for %while3A_160 = %while3A_76 to %while3A_72 step %while3A_79 iter_args(%while3A_161 = %while3A_78) -> (i32)  : i32 {
      %mul3A_162 = arith.constant 128 : i32
      %mul3A_163 = arith.muli %while3A_160, %mul3A_162 : i32
      %get3A_164 = arith.constant 0 : index
      %get3A_165 = arith.constant 0 : index
      %get3A_166 = arith.index_cast %mul3A_163 : i32 to index
      %get3A_167 = vector.load %arg2[%get3A_164, %get3A_165, %get3A_166] : memref<1x3x20480xf32, #tpu.memory_space<vmem>>, vector<1x1x128xf32>
      %get3A_168 = vector.shape_cast %get3A_167 : vector<1x1x128xf32> to vector<128xf32>
      %reshape3A = vector.shape_cast %get3A_168 : vector<128xf32> to vector<128x1xf32>
      %get3A_169 = arith.constant 0 : index
      %get3A_170 = arith.constant 1 : index
      %get3A_171 = arith.index_cast %mul3A_163 : i32 to index
      %get3A_172 = vector.load %arg2[%get3A_169, %get3A_170, %get3A_171] : memref<1x3x20480xf32, #tpu.memory_space<vmem>>, vector<1x1x128xf32>
      %get3A_173 = vector.shape_cast %get3A_172 : vector<1x1x128xf32> to vector<128xf32>
      %reshape3A_174 = vector.shape_cast %get3A_173 : vector<128xf32> to vector<128x1xf32>
      %get3A_175 = arith.constant 0 : index
      %get3A_176 = arith.constant 2 : index
      %get3A_177 = arith.index_cast %mul3A_163 : i32 to index
      %get3A_178 = vector.load %arg2[%get3A_175, %get3A_176, %get3A_177] : memref<1x3x20480xf32, #tpu.memory_space<vmem>>, vector<1x1x128xf32>
      %get3A_179 = vector.shape_cast %get3A_178 : vector<1x1x128xf32> to vector<128xf32>
      %reshape3A_180 = vector.shape_cast %get3A_179 : vector<128xf32> to vector<128x1xf32>
      %jit3A_181 = arith.constant 2 : i32
      %div3A_182 = arith.divsi %select_n3A_53, %jit3A_181 : i32
      %sign3A_183 = arith.constant 0 : i32
      %sign3A_184 = arith.cmpi sgt, %select_n3A_53, %sign3A_183 : i32
      %sign3A_185 = arith.extui %sign3A_184 : i1 to i32
      %sign3A_186 = arith.constant 0 : i32
      %sign3A_187 = arith.cmpi slt, %select_n3A_53, %sign3A_186 : i32
      %sign3A_188 = arith.extui %sign3A_187 : i1 to i32
      %sign3A_189 = arith.subi %sign3A_185, %sign3A_188 : i32
      %sign3A_190 = arith.constant 0 : i32
      %sign3A_191 = arith.cmpi sgt, %jit3A_181, %sign3A_190 : i32
      %sign3A_192 = arith.extui %sign3A_191 : i1 to i32
      %sign3A_193 = arith.constant 0 : i32
      %sign3A_194 = arith.cmpi slt, %jit3A_181, %sign3A_193 : i32
      %sign3A_195 = arith.extui %sign3A_194 : i1 to i32
      %sign3A_196 = arith.subi %sign3A_192, %sign3A_195 : i32
      %ne3A_197 = arith.cmpi ne, %sign3A_189, %sign3A_196 : i32
      %rem3A_198 = arith.remsi %select_n3A_53, %jit3A_181 : i32
      %ne3A_199 = arith.constant 0 : i32
      %ne3A_200 = arith.cmpi ne, %rem3A_198, %ne3A_199 : i32
      %and3A_201 = arith.andi %ne3A_197, %ne3A_200 : i1
      %sub3A_202 = arith.constant 1 : i32
      %sub3A_203 = arith.subi %div3A_182, %sub3A_202 : i32
      %select_n3A_204 = arith.select %and3A_201, %sub3A_203, %div3A_182 : i32
      %broadcast_in_dim3A_205 = arith.constant 0x7F800000 : f32
      %broadcast_in_dim3A_206 = vector.broadcast %broadcast_in_dim3A_205 : f32 to vector<128x128xf32>
      %while3A_207 = arith.constant 0 : i32
      %while3A_208 = arith.subi %select_n3A_204, %while3A_207 : i32
      %while3A_209 = arith.addi %while3A_207, %while3A_208 : i32
      %while3A_210 = arith.constant 1 : i32
      %while3A_211 = arith.divsi %while3A_208, %while3A_210 : i32
      %while3A_212 = arith.muli %while3A_211, %while3A_210 : i32
      %while3A_213 = arith.addi %while3A_207, %while3A_212 : i32
      %while3A_214 = arith.constant 1 : i32
      %while3A_215 = scf.for %while3A_245 = %while3A_207 to %while3A_213 step %while3A_214 iter_args(%while3A_246 = %broadcast_in_dim3A_206) -> (vector<128x128xf32>)  : i32 {
        %mul3A_247 = arith.constant 2 : i32
        %mul3A_248 = arith.muli %mul3A_247, %while3A_245 : i32
        %add3A_249 = arith.constant 1 : i32
        %add3A_250 = arith.addi %mul3A_248, %add3A_249 : i32
        %mul3A_251 = arith.constant 2 : i32
        %mul3A_252 = arith.muli %mul3A_251, %while3A_245 : i32
        %get3A_253 = arith.constant 0 : index
        %get3A_254 = arith.index_cast %mul3A_252 : i32 to index
        %get3A_255 = arith.constant 0 : index
        %get3A_256 = vector.load %arg7[%get3A_253, %get3A_254, %get3A_255] : memref<3x160x128xf32, #tpu.memory_space<vmem>>, vector<1x1x128xf32>
        %get3A_257 = vector.shape_cast %get3A_256 : vector<1x1x128xf32> to vector<128xf32>
        %reshape3A_258 = vector.shape_cast %get3A_257 : vector<128xf32> to vector<1x128xf32>
        %get3A_259 = arith.constant 1 : index
        %get3A_260 = arith.index_cast %mul3A_252 : i32 to index
        %get3A_261 = arith.constant 0 : index
        %get3A_262 = vector.load %arg7[%get3A_259, %get3A_260, %get3A_261] : memref<3x160x128xf32, #tpu.memory_space<vmem>>, vector<1x1x128xf32>
        %get3A_263 = vector.shape_cast %get3A_262 : vector<1x1x128xf32> to vector<128xf32>
        %reshape3A_264 = vector.shape_cast %get3A_263 : vector<128xf32> to vector<1x128xf32>
        %get3A_265 = arith.constant 2 : index
        %get3A_266 = arith.index_cast %mul3A_252 : i32 to index
        %get3A_267 = arith.constant 0 : index
        %get3A_268 = vector.load %arg7[%get3A_265, %get3A_266, %get3A_267] : memref<3x160x128xf32, #tpu.memory_space<vmem>>, vector<1x1x128xf32>
        %get3A_269 = vector.shape_cast %get3A_268 : vector<1x1x128xf32> to vector<128xf32>
        %reshape3A_270 = vector.shape_cast %get3A_269 : vector<128xf32> to vector<1x128xf32>
        %sub3A_271 = vector.broadcast %reshape3A : vector<128x1xf32> to vector<128x128xf32>
        %sub3A_272 = vector.broadcast %reshape3A_258 : vector<1x128xf32> to vector<128x128xf32>
        %sub3A_273 = arith.subf %sub3A_271, %sub3A_272 : vector<128x128xf32>
        %mul3A_274 = arith.mulf %sub3A_273, %sub3A_273 : vector<128x128xf32>
        %sub3A_275 = vector.broadcast %reshape3A_174 : vector<128x1xf32> to vector<128x128xf32>
        %sub3A_276 = vector.broadcast %reshape3A_264 : vector<1x128xf32> to vector<128x128xf32>
        %sub3A_277 = arith.subf %sub3A_275, %sub3A_276 : vector<128x128xf32>
        %mul3A_278 = arith.mulf %sub3A_277, %sub3A_277 : vector<128x128xf32>
        %add3A_279 = arith.addf %mul3A_274, %mul3A_278 : vector<128x128xf32>
        %sub3A_280 = vector.broadcast %reshape3A_180 : vector<128x1xf32> to vector<128x128xf32>
        %sub3A_281 = vector.broadcast %reshape3A_270 : vector<1x128xf32> to vector<128x128xf32>
        %sub3A_282 = arith.subf %sub3A_280, %sub3A_281 : vector<128x128xf32>
        %mul3A_283 = arith.mulf %sub3A_282, %sub3A_282 : vector<128x128xf32>
        %add3A_284 = arith.addf %add3A_279, %mul3A_283 : vector<128x128xf32>
        %min3A = arith.minimumf %while3A_246, %add3A_284 : vector<128x128xf32>
        %get3A_285 = arith.constant 0 : index
        %get3A_286 = arith.index_cast %add3A_250 : i32 to index
        %get3A_287 = arith.constant 0 : index
        %get3A_288 = vector.load %arg7[%get3A_285, %get3A_286, %get3A_287] : memref<3x160x128xf32, #tpu.memory_space<vmem>>, vector<1x1x128xf32>
        %get3A_289 = vector.shape_cast %get3A_288 : vector<1x1x128xf32> to vector<128xf32>
        %reshape3A_290 = vector.shape_cast %get3A_289 : vector<128xf32> to vector<1x128xf32>
        %get3A_291 = arith.constant 1 : index
        %get3A_292 = arith.index_cast %add3A_250 : i32 to index
        %get3A_293 = arith.constant 0 : index
        %get3A_294 = vector.load %arg7[%get3A_291, %get3A_292, %get3A_293] : memref<3x160x128xf32, #tpu.memory_space<vmem>>, vector<1x1x128xf32>
        %get3A_295 = vector.shape_cast %get3A_294 : vector<1x1x128xf32> to vector<128xf32>
        %reshape3A_296 = vector.shape_cast %get3A_295 : vector<128xf32> to vector<1x128xf32>
        %get3A_297 = arith.constant 2 : index
        %get3A_298 = arith.index_cast %add3A_250 : i32 to index
        %get3A_299 = arith.constant 0 : index
        %get3A_300 = vector.load %arg7[%get3A_297, %get3A_298, %get3A_299] : memref<3x160x128xf32, #tpu.memory_space<vmem>>, vector<1x1x128xf32>
        %get3A_301 = vector.shape_cast %get3A_300 : vector<1x1x128xf32> to vector<128xf32>
        %reshape3A_302 = vector.shape_cast %get3A_301 : vector<128xf32> to vector<1x128xf32>
        %sub3A_303 = vector.broadcast %reshape3A : vector<128x1xf32> to vector<128x128xf32>
        %sub3A_304 = vector.broadcast %reshape3A_290 : vector<1x128xf32> to vector<128x128xf32>
        %sub3A_305 = arith.subf %sub3A_303, %sub3A_304 : vector<128x128xf32>
        %mul3A_306 = arith.mulf %sub3A_305, %sub3A_305 : vector<128x128xf32>
        %sub3A_307 = vector.broadcast %reshape3A_174 : vector<128x1xf32> to vector<128x128xf32>
        %sub3A_308 = vector.broadcast %reshape3A_296 : vector<1x128xf32> to vector<128x128xf32>
        %sub3A_309 = arith.subf %sub3A_307, %sub3A_308 : vector<128x128xf32>
        %mul3A_310 = arith.mulf %sub3A_309, %sub3A_309 : vector<128x128xf32>
        %add3A_311 = arith.addf %mul3A_306, %mul3A_310 : vector<128x128xf32>
        %sub3A_312 = vector.broadcast %reshape3A_180 : vector<128x1xf32> to vector<128x128xf32>
        %sub3A_313 = vector.broadcast %reshape3A_302 : vector<1x128xf32> to vector<128x128xf32>
        %sub3A_314 = arith.subf %sub3A_312, %sub3A_313 : vector<128x128xf32>
        %mul3A_315 = arith.mulf %sub3A_314, %sub3A_314 : vector<128x128xf32>
        %add3A_316 = arith.addf %add3A_311, %mul3A_315 : vector<128x128xf32>
        %min3A_317 = arith.minimumf %min3A, %add3A_316 : vector<128x128xf32>
        scf.yield %min3A_317 : vector<128x128xf32>
      }
      %while3A_216 = arith.constant 1 : i32
      %while3A_217 = scf.for %while3A_245 = %while3A_213 to %while3A_209 step %while3A_216 iter_args(%while3A_246 = %while3A_215) -> (vector<128x128xf32>)  : i32 {
        %mul3A_247 = arith.constant 2 : i32
        %mul3A_248 = arith.muli %mul3A_247, %while3A_245 : i32
        %add3A_249 = arith.constant 1 : i32
        %add3A_250 = arith.addi %mul3A_248, %add3A_249 : i32
        %mul3A_251 = arith.constant 2 : i32
        %mul3A_252 = arith.muli %mul3A_251, %while3A_245 : i32
        %get3A_253 = arith.constant 0 : index
        %get3A_254 = arith.index_cast %mul3A_252 : i32 to index
        %get3A_255 = arith.constant 0 : index
        %get3A_256 = vector.load %arg7[%get3A_253, %get3A_254, %get3A_255] : memref<3x160x128xf32, #tpu.memory_space<vmem>>, vector<1x1x128xf32>
        %get3A_257 = vector.shape_cast %get3A_256 : vector<1x1x128xf32> to vector<128xf32>
        %reshape3A_258 = vector.shape_cast %get3A_257 : vector<128xf32> to vector<1x128xf32>
        %get3A_259 = arith.constant 1 : index
        %get3A_260 = arith.index_cast %mul3A_252 : i32 to index
        %get3A_261 = arith.constant 0 : index
        %get3A_262 = vector.load %arg7[%get3A_259, %get3A_260, %get3A_261] : memref<3x160x128xf32, #tpu.memory_space<vmem>>, vector<1x1x128xf32>
        %get3A_263 = vector.shape_cast %get3A_262 : vector<1x1x128xf32> to vector<128xf32>
        %reshape3A_264 = vector.shape_cast %get3A_263 : vector<128xf32> to vector<1x128xf32>
        %get3A_265 = arith.constant 2 : index
        %get3A_266 = arith.index_cast %mul3A_252 : i32 to index
        %get3A_267 = arith.constant 0 : index
        %get3A_268 = vector.load %arg7[%get3A_265, %get3A_266, %get3A_267] : memref<3x160x128xf32, #tpu.memory_space<vmem>>, vector<1x1x128xf32>
        %get3A_269 = vector.shape_cast %get3A_268 : vector<1x1x128xf32> to vector<128xf32>
        %reshape3A_270 = vector.shape_cast %get3A_269 : vector<128xf32> to vector<1x128xf32>
        %sub3A_271 = vector.broadcast %reshape3A : vector<128x1xf32> to vector<128x128xf32>
        %sub3A_272 = vector.broadcast %reshape3A_258 : vector<1x128xf32> to vector<128x128xf32>
        %sub3A_273 = arith.subf %sub3A_271, %sub3A_272 : vector<128x128xf32>
        %mul3A_274 = arith.mulf %sub3A_273, %sub3A_273 : vector<128x128xf32>
        %sub3A_275 = vector.broadcast %reshape3A_174 : vector<128x1xf32> to vector<128x128xf32>
        %sub3A_276 = vector.broadcast %reshape3A_264 : vector<1x128xf32> to vector<128x128xf32>
        %sub3A_277 = arith.subf %sub3A_275, %sub3A_276 : vector<128x128xf32>
        %mul3A_278 = arith.mulf %sub3A_277, %sub3A_277 : vector<128x128xf32>
        %add3A_279 = arith.addf %mul3A_274, %mul3A_278 : vector<128x128xf32>
        %sub3A_280 = vector.broadcast %reshape3A_180 : vector<128x1xf32> to vector<128x128xf32>
        %sub3A_281 = vector.broadcast %reshape3A_270 : vector<1x128xf32> to vector<128x128xf32>
        %sub3A_282 = arith.subf %sub3A_280, %sub3A_281 : vector<128x128xf32>
        %mul3A_283 = arith.mulf %sub3A_282, %sub3A_282 : vector<128x128xf32>
        %add3A_284 = arith.addf %add3A_279, %mul3A_283 : vector<128x128xf32>
        %min3A = arith.minimumf %while3A_246, %add3A_284 : vector<128x128xf32>
        %get3A_285 = arith.constant 0 : index
        %get3A_286 = arith.index_cast %add3A_250 : i32 to index
        %get3A_287 = arith.constant 0 : index
        %get3A_288 = vector.load %arg7[%get3A_285, %get3A_286, %get3A_287] : memref<3x160x128xf32, #tpu.memory_space<vmem>>, vector<1x1x128xf32>
        %get3A_289 = vector.shape_cast %get3A_288 : vector<1x1x128xf32> to vector<128xf32>
        %reshape3A_290 = vector.shape_cast %get3A_289 : vector<128xf32> to vector<1x128xf32>
        %get3A_291 = arith.constant 1 : index
        %get3A_292 = arith.index_cast %add3A_250 : i32 to index
        %get3A_293 = arith.constant 0 : index
        %get3A_294 = vector.load %arg7[%get3A_291, %get3A_292, %get3A_293] : memref<3x160x128xf32, #tpu.memory_space<vmem>>, vector<1x1x128xf32>
        %get3A_295 = vector.shape_cast %get3A_294 : vector<1x1x128xf32> to vector<128xf32>
        %reshape3A_296 = vector.shape_cast %get3A_295 : vector<128xf32> to vector<1x128xf32>
        %get3A_297 = arith.constant 2 : index
        %get3A_298 = arith.index_cast %add3A_250 : i32 to index
        %get3A_299 = arith.constant 0 : index
        %get3A_300 = vector.load %arg7[%get3A_297, %get3A_298, %get3A_299] : memref<3x160x128xf32, #tpu.memory_space<vmem>>, vector<1x1x128xf32>
        %get3A_301 = vector.shape_cast %get3A_300 : vector<1x1x128xf32> to vector<128xf32>
        %reshape3A_302 = vector.shape_cast %get3A_301 : vector<128xf32> to vector<1x128xf32>
        %sub3A_303 = vector.broadcast %reshape3A : vector<128x1xf32> to vector<128x128xf32>
        %sub3A_304 = vector.broadcast %reshape3A_290 : vector<1x128xf32> to vector<128x128xf32>
        %sub3A_305 = arith.subf %sub3A_303, %sub3A_304 : vector<128x128xf32>
        %mul3A_306 = arith.mulf %sub3A_305, %sub3A_305 : vector<128x128xf32>
        %sub3A_307 = vector.broadcast %reshape3A_174 : vector<128x1xf32> to vector<128x128xf32>
        %sub3A_308 = vector.broadcast %reshape3A_296 : vector<1x128xf32> to vector<128x128xf32>
        %sub3A_309 = arith.subf %sub3A_307, %sub3A_308 : vector<128x128xf32>
        %mul3A_310 = arith.mulf %sub3A_309, %sub3A_309 : vector<128x128xf32>
        %add3A_311 = arith.addf %mul3A_306, %mul3A_310 : vector<128x128xf32>
        %sub3A_312 = vector.broadcast %reshape3A_180 : vector<128x1xf32> to vector<128x128xf32>
        %sub3A_313 = vector.broadcast %reshape3A_302 : vector<1x128xf32> to vector<128x128xf32>
        %sub3A_314 = arith.subf %sub3A_312, %sub3A_313 : vector<128x128xf32>
        %mul3A_315 = arith.mulf %sub3A_314, %sub3A_314 : vector<128x128xf32>
        %add3A_316 = arith.addf %add3A_311, %mul3A_315 : vector<128x128xf32>
        %min3A_317 = arith.minimumf %min3A, %add3A_316 : vector<128x128xf32>
        scf.yield %min3A_317 : vector<128x128xf32>
      }
      %jit3A_218 = arith.constant 2 : i32
      %eq3A = arith.constant 0 : i32
      %eq3A_219 = arith.cmpi eq, %jit3A_218, %eq3A : i32
      %jit3A_220 = arith.constant 1 : i32
      %select_n3A_221 = arith.select %eq3A_219, %jit3A_220, %jit3A_218 : i32
      %rem3A_222 = arith.remsi %select_n3A_53, %select_n3A_221 : i32
      %ne3A_223 = arith.constant 0 : i32
      %ne3A_224 = arith.cmpi ne, %rem3A_222, %ne3A_223 : i32
      %lt3A_225 = arith.constant 0 : i32
      %lt3A_226 = arith.cmpi slt, %rem3A_222, %lt3A_225 : i32
      %lt3A_227 = arith.constant 0 : i32
      %lt3A_228 = arith.cmpi slt, %select_n3A_221, %lt3A_227 : i32
      %ne3A_229 = arith.xori %lt3A_226, %lt3A_228 : i1
      %and3A_230 = arith.andi %ne3A_229, %ne3A_224 : i1
      %add3A_231 = arith.addi %rem3A_222, %select_n3A_221 : i32
      %select_n3A_232 = arith.select %and3A_230, %add3A_231, %rem3A_222 : i32
      %eq3A_233 = arith.constant 1 : i32
      %eq3A_234 = arith.cmpi eq, %select_n3A_232, %eq3A_233 : i32
      %convert_element_type3A_235 = arith.extui %eq3A_234 : i1 to i32
      %cond3A = arith.constant 0 : i32
      %cond3A_236 = arith.cmpi ne, %convert_element_type3A_235, %cond3A : i32
      %cond3A_237 = scf.if %cond3A_236 -> (vector<128x128xf32>) {
        %sub3A_245 = arith.constant 1 : i32
        %sub3A_246 = arith.subi %select_n3A_53, %sub3A_245 : i32
        %get3A_247 = arith.constant 0 : index
        %get3A_248 = arith.index_cast %sub3A_246 : i32 to index
        %get3A_249 = arith.constant 0 : index
        %get3A_250 = vector.load %arg7[%get3A_247, %get3A_248, %get3A_249] : memref<3x160x128xf32, #tpu.memory_space<vmem>>, vector<1x1x128xf32>
        %get3A_251 = vector.shape_cast %get3A_250 : vector<1x1x128xf32> to vector<128xf32>
        %reshape3A_252 = vector.shape_cast %get3A_251 : vector<128xf32> to vector<1x128xf32>
        %get3A_253 = arith.constant 1 : index
        %get3A_254 = arith.index_cast %sub3A_246 : i32 to index
        %get3A_255 = arith.constant 0 : index
        %get3A_256 = vector.load %arg7[%get3A_253, %get3A_254, %get3A_255] : memref<3x160x128xf32, #tpu.memory_space<vmem>>, vector<1x1x128xf32>
        %get3A_257 = vector.shape_cast %get3A_256 : vector<1x1x128xf32> to vector<128xf32>
        %reshape3A_258 = vector.shape_cast %get3A_257 : vector<128xf32> to vector<1x128xf32>
        %get3A_259 = arith.constant 2 : index
        %get3A_260 = arith.index_cast %sub3A_246 : i32 to index
        %get3A_261 = arith.constant 0 : index
        %get3A_262 = vector.load %arg7[%get3A_259, %get3A_260, %get3A_261] : memref<3x160x128xf32, #tpu.memory_space<vmem>>, vector<1x1x128xf32>
        %get3A_263 = vector.shape_cast %get3A_262 : vector<1x1x128xf32> to vector<128xf32>
        %reshape3A_264 = vector.shape_cast %get3A_263 : vector<128xf32> to vector<1x128xf32>
        %sub3A_265 = vector.broadcast %reshape3A : vector<128x1xf32> to vector<128x128xf32>
        %sub3A_266 = vector.broadcast %reshape3A_252 : vector<1x128xf32> to vector<128x128xf32>
        %sub3A_267 = arith.subf %sub3A_265, %sub3A_266 : vector<128x128xf32>
        %mul3A_268 = arith.mulf %sub3A_267, %sub3A_267 : vector<128x128xf32>
        %sub3A_269 = vector.broadcast %reshape3A_174 : vector<128x1xf32> to vector<128x128xf32>
        %sub3A_270 = vector.broadcast %reshape3A_258 : vector<1x128xf32> to vector<128x128xf32>
        %sub3A_271 = arith.subf %sub3A_269, %sub3A_270 : vector<128x128xf32>
        %mul3A_272 = arith.mulf %sub3A_271, %sub3A_271 : vector<128x128xf32>
        %add3A_273 = arith.addf %mul3A_268, %mul3A_272 : vector<128x128xf32>
        %sub3A_274 = vector.broadcast %reshape3A_180 : vector<128x1xf32> to vector<128x128xf32>
        %sub3A_275 = vector.broadcast %reshape3A_264 : vector<1x128xf32> to vector<128x128xf32>
        %sub3A_276 = arith.subf %sub3A_274, %sub3A_275 : vector<128x128xf32>
        %mul3A_277 = arith.mulf %sub3A_276, %sub3A_276 : vector<128x128xf32>
        %add3A_278 = arith.addf %add3A_273, %mul3A_277 : vector<128x128xf32>
        %min3A = arith.minimumf %while3A_217, %add3A_278 : vector<128x128xf32>
        scf.yield %min3A : vector<128x128xf32>
      } else {
        scf.yield %while3A_217 : vector<128x128xf32>
      }
      %reduce_min3A = arith.constant dense<0x7F800000> : vector<128xf32>
      %reduce_min3A_238 = vector.multi_reduction <minimumf>, %cond3A_237, %reduce_min3A [1] : vector<128x128xf32> to vector<128xf32>
      %swap3A_239 = arith.index_cast %while3A_160 : i32 to index
      %swap3A_240 = arith.constant 0 : index
      %swap3A_241 = vector.load %arg5[%swap3A_239, %swap3A_240] : memref<160x128xf32, #tpu.memory_space<vmem>>, vector<1x128xf32>
      %swap3A_242 = vector.shape_cast %swap3A_241 : vector<1x128xf32> to vector<128xf32>
      %swap3A_243 = vector.shape_cast %reduce_min3A_238 : vector<128xf32> to vector<1x128xf32>
      tpu.vector_store %arg5[%swap3A_239, %swap3A_240], %swap3A_243 {strides = array<i32>} : memref<160x128xf32, #tpu.memory_space<vmem>>, vector<1x128xf32>,
      %while3A_244 = arith.constant 0 : i32
      scf.yield %while3A_244 : i32
    }
    %iota3A_81 = tpu.iota {dimensions = array<i32: 0>} : vector<160x128xi32>
    %mul3A = arith.constant 128 : i32
    %mul3A_82 = vector.broadcast %mul3A : i32 to vector<160x128xi32>
    %mul3A_83 = arith.muli %iota3A_81, %mul3A_82 : vector<160x128xi32>
    %iota3A_84 = tpu.iota {dimensions = array<i32: 1>} : vector<160x128xi32>
    %add3A_85 = arith.addi %mul3A_83, %iota3A_84 : vector<160x128xi32>
    %lt3A = vector.broadcast %get3A_1 : i32 to vector<160x128xi32>
    %lt3A_86 = arith.cmpi slt, %add3A_85, %lt3A : vector<160x128xi32>
    %get3A_87 = arith.constant 0 : index
    %get3A_88 = arith.constant 0 : index
    %get3A_89 = vector.load %arg5[%get3A_87, %get3A_88] : memref<160x128xf32, #tpu.memory_space<vmem>>, vector<160x128xf32>
    %jit3A_90 = arith.constant 0x7F800000 : f32
    %broadcast_in_dim3A_91 = vector.broadcast %jit3A_90 : f32 to vector<160x128xf32>
    %select_n3A_92 = arith.select %lt3A_86, %get3A_89, %broadcast_in_dim3A_91 : vector<160x128xi1>, vector<160x128xf32>
    %swap3A_93 = arith.constant 0 : index
    %swap3A_94 = arith.constant 0 : index
    %swap3A_95 = vector.load %arg5[%swap3A_93, %swap3A_94] : memref<160x128xf32, #tpu.memory_space<vmem>>, vector<160x128xf32>
    tpu.vector_store %arg5[%swap3A_93, %swap3A_94], %select_n3A_92 {strides = array<i32>} : memref<160x128xf32, #tpu.memory_space<vmem>>, vector<160x128xf32>,
    %bitcast_convert_type3A = tpu.bitcast %select_n3A_92 : vector<160x128xf32> -> vector<160x128xi32>
    %swap3A_96 = arith.constant 0 : index
    %swap3A_97 = arith.constant 0 : index
    %swap3A_98 = vector.load %arg6[%swap3A_96, %swap3A_97] : memref<160x128xi32, #tpu.memory_space<vmem>>, vector<160x128xi32>
    tpu.vector_store %arg6[%swap3A_96, %swap3A_97], %bitcast_convert_type3A {strides = array<i32>} : memref<160x128xi32, #tpu.memory_space<vmem>>, vector<160x128xi32>,
    %get3A_99 = arith.constant 0 : index
    %get3A_100 = arith.constant 0 : index
    %get3A_101 = vector.load %arg6[%get3A_99, %get3A_100] : memref<160x128xi32, #tpu.memory_space<vmem>>, vector<160x128xi32>
    %jit3A_102 = arith.constant 2 : i32
    %div3A_103 = arith.divsi %get3A_1, %jit3A_102 : i32
    %sign3A_104 = arith.constant 0 : i32
    %sign3A_105 = arith.cmpi sgt, %get3A_1, %sign3A_104 : i32
    %sign3A_106 = arith.extui %sign3A_105 : i1 to i32
    %sign3A_107 = arith.constant 0 : i32
    %sign3A_108 = arith.cmpi slt, %get3A_1, %sign3A_107 : i32
    %sign3A_109 = arith.extui %sign3A_108 : i1 to i32
    %sign3A_110 = arith.subi %sign3A_106, %sign3A_109 : i32
    %sign3A_111 = arith.constant 0 : i32
    %sign3A_112 = arith.cmpi sgt, %jit3A_102, %sign3A_111 : i32
    %sign3A_113 = arith.extui %sign3A_112 : i1 to i32
    %sign3A_114 = arith.constant 0 : i32
    %sign3A_115 = arith.cmpi slt, %jit3A_102, %sign3A_114 : i32
    %sign3A_116 = arith.extui %sign3A_115 : i1 to i32
    %sign3A_117 = arith.subi %sign3A_113, %sign3A_116 : i32
    %ne3A_118 = arith.cmpi ne, %sign3A_110, %sign3A_117 : i32
    %rem3A_119 = arith.remsi %get3A_1, %jit3A_102 : i32
    %ne3A_120 = arith.constant 0 : i32
    %ne3A_121 = arith.cmpi ne, %rem3A_119, %ne3A_120 : i32
    %and3A_122 = arith.andi %ne3A_118, %ne3A_121 : i1
    %sub3A_123 = arith.constant 1 : i32
    %sub3A_124 = arith.subi %div3A_103, %sub3A_123 : i32
    %select_n3A_125 = arith.select %and3A_122, %sub3A_124, %div3A_103 : i32
    %add3A_126 = arith.constant 1 : i32
    %add3A_127 = arith.addi %add3A_126, %select_n3A_125 : i32
    %scan3A = arith.constant 0 : i32
    %scan3A_128 = arith.constant 2139095040 : i32
    %scan3A_129 = arith.constant 0 : i32
    %scan3A_130 = arith.constant 32 : i32
    %scan3A_131 = arith.addi %scan3A_129, %scan3A_130 : i32
    %scan3A_132 = arith.constant 1 : i32
    %scan3A_133:2 = scf.for %scan3A_160 = %scan3A_129 to %scan3A_131 step %scan3A_132 iter_args(%scan3A_161 = %scan3A, %scan3A_162 = %scan3A_128) -> (i32, i32)  : i32 {
      %sub3A_163 = arith.subi %scan3A_162, %scan3A_161 : i32
      %jit3A_164 = arith.constant 2 : i32
      %div3A_165 = arith.divsi %sub3A_163, %jit3A_164 : i32
      %sign3A_166 = arith.constant 0 : i32
      %sign3A_167 = arith.cmpi sgt, %sub3A_163, %sign3A_166 : i32
      %sign3A_168 = arith.extui %sign3A_167 : i1 to i32
      %sign3A_169 = arith.constant 0 : i32
      %sign3A_170 = arith.cmpi slt, %sub3A_163, %sign3A_169 : i32
      %sign3A_171 = arith.extui %sign3A_170 : i1 to i32
      %sign3A_172 = arith.subi %sign3A_168, %sign3A_171 : i32
      %sign3A_173 = arith.constant 0 : i32
      %sign3A_174 = arith.cmpi sgt, %jit3A_164, %sign3A_173 : i32
      %sign3A_175 = arith.extui %sign3A_174 : i1 to i32
      %sign3A_176 = arith.constant 0 : i32
      %sign3A_177 = arith.cmpi slt, %jit3A_164, %sign3A_176 : i32
      %sign3A_178 = arith.extui %sign3A_177 : i1 to i32
      %sign3A_179 = arith.subi %sign3A_175, %sign3A_178 : i32
      %ne3A_180 = arith.cmpi ne, %sign3A_172, %sign3A_179 : i32
      %rem3A_181 = arith.remsi %sub3A_163, %jit3A_164 : i32
      %ne3A_182 = arith.constant 0 : i32
      %ne3A_183 = arith.cmpi ne, %rem3A_181, %ne3A_182 : i32
      %and3A_184 = arith.andi %ne3A_180, %ne3A_183 : i1
      %sub3A_185 = arith.constant 1 : i32
      %sub3A_186 = arith.subi %div3A_165, %sub3A_185 : i32
      %select_n3A_187 = arith.select %and3A_184, %sub3A_186, %div3A_165 : i32
      %add3A_188 = arith.addi %scan3A_161, %select_n3A_187 : i32
      %le3A = vector.broadcast %add3A_188 : i32 to vector<160x128xi32>
      %le3A_189 = arith.cmpi sle, %get3A_101, %le3A : vector<160x128xi32>
      %convert_element_type3A_190 = arith.extui %le3A_189 : vector<160x128xi1> to vector<160x128xi32>
      %reduce_sum3A_191 = vector.shape_cast %convert_element_type3A_190 : vector<160x128xi32> to vector<1x160x128xi32>
      %reduce_sum3A_192 = arith.constant dense<0> : vector<1xi32>
      %reduce_sum3A_193 = vector.multi_reduction <add>, %reduce_sum3A_191, %reduce_sum3A_192 [1, 2] : vector<1x160x128xi32> to vector<1xi32>
      %reduce_sum3A_194 = vector.shape_cast %reduce_sum3A_193 : vector<1xi32> to vector<1x1x1xi32>
      %reduce_sum3A_195 = vector.extract %reduce_sum3A_194[0, 0, 0] : i32 from vector<1x1x1xi32>
      %ge3A = arith.cmpi sge, %reduce_sum3A_195, %add3A_127 : i32
      %add3A_196 = arith.constant 1 : i32
      %add3A_197 = arith.addi %add3A_188, %add3A_196 : i32
      %select_n3A_198 = arith.select %ge3A, %scan3A_161, %add3A_197 : i32
      %select_n3A_199 = arith.select %ge3A, %add3A_188, %scan3A_162 : i32
      scf.yield %select_n3A_198, %select_n3A_199 : i32, i32
    }
    %lt3A_134 = vector.broadcast %scan3A_133#0 : i32 to vector<160x128xi32>
    %lt3A_135 = arith.cmpi slt, %get3A_101, %lt3A_134 : vector<160x128xi32>
    %convert_element_type3A = arith.extui %lt3A_135 : vector<160x128xi1> to vector<160x128xi32>
    %convert_element_type3A_136 = arith.sitofp %convert_element_type3A : vector<160x128xi32> to vector<160x128xf32>
    %reduce_sum3A = vector.shape_cast %convert_element_type3A_136 : vector<160x128xf32> to vector<1x160x128xf32>
    %reduce_sum3A_137 = arith.constant dense<0.000000e+00> : vector<1xf32>
    %reduce_sum3A_138 = vector.multi_reduction <add>, %reduce_sum3A, %reduce_sum3A_137 [1, 2] : vector<1x160x128xf32> to vector<1xf32>
    %reduce_sum3A_139 = vector.shape_cast %reduce_sum3A_138 : vector<1xf32> to vector<1x1x1xf32>
    %reduce_sum3A_140 = vector.extract %reduce_sum3A_139[0, 0, 0] : f32 from vector<1x1x1xf32>
    %mul3A_141 = arith.mulf %select_n3A_92, %select_n3A_92 : vector<160x128xf32>
    %jit3A_142 = arith.constant 0.000000e+00 : f32
    %broadcast_in_dim3A_143 = vector.broadcast %jit3A_142 : f32 to vector<160x128xf32>
    %select_n3A_144 = arith.select %lt3A_135, %mul3A_141, %broadcast_in_dim3A_143 : vector<160x128xi1>, vector<160x128xf32>
    %reduce_sum3A_145 = vector.shape_cast %select_n3A_144 : vector<160x128xf32> to vector<1x160x128xf32>
    %reduce_sum3A_146 = arith.constant dense<0.000000e+00> : vector<1xf32>
    %reduce_sum3A_147 = vector.multi_reduction <add>, %reduce_sum3A_145, %reduce_sum3A_146 [1, 2] : vector<1x160x128xf32> to vector<1xf32>
    %reduce_sum3A_148 = vector.shape_cast %reduce_sum3A_147 : vector<1xf32> to vector<1x1x1xf32>
    %reduce_sum3A_149 = vector.extract %reduce_sum3A_148[0, 0, 0] : f32 from vector<1x1x1xf32>
    %add3A_150 = arith.constant 9.99999996E-13 : f32
    %add3A_151 = arith.addf %reduce_sum3A_140, %add3A_150 : f32
    %div3A_152 = arith.divf %reduce_sum3A_149, %add3A_151 : f32
    %broadcast_in_dim3A_153 = vector.broadcast %div3A_152 : f32 to vector<128xf32>
    %swap3A_154 = arith.constant 0 : index
    %swap3A_155 = arith.constant 0 : index
    %swap3A_156 = arith.constant 0 : index
    %swap3A_157 = vector.load %arg4[%swap3A_154, %swap3A_155, %swap3A_156] : memref<1x1x128xf32, #tpu.memory_space<vmem>>, vector<1x1x128xf32>
    %swap3A_158 = vector.shape_cast %swap3A_157 : vector<1x1x128xf32> to vector<128xf32>
    %swap3A_159 = vector.shape_cast %broadcast_in_dim3A_153 : vector<128xf32> to vector<1x1x128xf32>
    tpu.vector_store %arg4[%swap3A_154, %swap3A_155, %swap3A_156], %swap3A_159 {strides = array<i32>} : memref<1x1x128xf32, #tpu.memory_space<vmem>>, vector<1x1x128xf32>,
    return
  }
  func.func @transform_0(%arg0: i32, %arg1: memref<8x16xi32, #tpu.memory_space<smem>>) -> (i32, i32, i32) {
    %c0_i32 = arith.constant 0 : i32
    %c0_i32_0 = arith.constant 0 : i32
    %c0_i32_1 = arith.constant 0 : i32
    return %arg0, %c0_i32, %c0_i32_0 : i32, i32, i32
  }
  func.func @transform_1(%arg0: i32, %arg1: memref<8x16xi32, #tpu.memory_space<smem>>) -> (i32, i32, i32) {
    %add3A = arith.constant 4 : i32
    %add3A_0 = arith.addi %arg0, %add3A : i32
    %c0_i32 = arith.constant 0 : i32
    %c0_i32_1 = arith.constant 0 : i32
    %c0_i32_2 = arith.constant 0 : i32
    return %add3A_0, %c0_i32, %c0_i32_1 : i32, i32, i32
  }
  func.func @transform_2(%arg0: i32, %arg1: memref<8x16xi32, #tpu.memory_space<smem>>) -> (i32, i32, i32) {
    %c0_i32 = arith.constant 0 : i32
    %c0_i32_0 = arith.constant 0 : i32
    %c0_i32_1 = arith.constant 0 : i32
    return %arg0, %c0_i32, %c0_i32_0 : i32, i32, i32
  }
}

</mosaic_0001>

<sc_bundles>
// kernel: kernel.4.cloned.1.call-start
scs
__scs_entry_jumppad:
0x0: {  	(pc) =	sbr.rel $0x88, $3  }
0x1: {  	(tag) =	ssettag $0x0;
	lr =	simm.s32 $0x1  }
0x2: {  	[smem:$0x3F9E] =	sst lr;
	_ =	strace $0xD0000000  }
0x3: {  	_ = 	snop  }
0x4: {  	_ = 	snop  }
0x5: {  	_ = 	snop  }
0x6: {  	_ = 	snop  }
0x7: {  	_ = 	snop  }
__scs_overlays_trampoline_lowered:
0x8: {  	[smem:$0x3FAD] =	sst s0  }
0x9: {  	[smem:$0x3FAE] =	sst s1  }
0xa: {  	[smem:$0x3FAF] =	sst s2  }
0xb: {  	[smem:$0x3FB0] =	sst s3  }
0xc: {  	[smem:$0x3FB1] =	sst s4  }
0xd: {  	[smem:$0x3FB2] =	sst s5  }
0xe: {  	[smem:$0x3FB3] =	sst s6  }
0xf: {  	[smem:$0x3FB4] =	sst s7  }
0x10: {  	[smem:$0x3FB5] =	sst s8  }
0x11: {  	[smem:$0x3FB6] =	sst s9;
	s0 =	simm.s32 @!p0 $0x0  }
0x12: {  	s1 =	sld [smem:$0x3F9C];
	s0 =	simm.s32 @p0 $0x1  }
0x13: {  	[smem:$0x3FB7] =	sst s0;
	s0 =	simm.s32 @!p1 $0x0  }
0x14: {  	s2 =	sld [smem:$0x3F9B];
	s0 =	simm.s32 @p1 $0x1  }
0x15: {  	[smem:$0x3FB8] =	sst s0;
	s0 =	simm.s32 @!p2 $0x0  }
0x16: {  	s3 =	sld [smem:$0x3FDB];
	s0 =	simm.s32 @p2 $0x1  }
0x17: {  	s4 =	simm.s32 $0x1BF5;
	[smem:$0x3FBA] =	sst s0  }
0x18: {  	s0 =	sld [smem:$0x3F9D];
	_ =	swait.ge [sflag:s4], $0x0  }
0x19: {  	s7 =	sld [smem:$0x3F9E]  }
0x1a: {  	s8 =	sadd.s32 $0xFFFFE003, lr  }
0x1b: {  	s9 =	sadd.s32 $0xFFFFFEF7, lr;
	s5 =	simm.s32 $0xFFFFFFFF;
	p2 =	slt.u32 s8, $0xFFFFF086  }
0x1c: {  	p1 =	slt.u32 s9, $0xF7A;
	s5 =	simm.s32 @!p2 $0x0  }
0x1d: {  	s5 =	simm.s32 @p1 $0x1;
	p0 =	seq.s32 s7, s2  }
0x1e: {  	s7 =	smul.u32 @!p0 $0xF7A, s2;
	p2 =	seq.s32 @!p0 s5, $0x0  }
0x1f: {  	s9 =	smul.u32 $0xF7A, s1;
	s8 =	simm.s32 @!p0 $0x1BF5;
	p2 =	por !p2, p0  }
0x20: {  	[sflag:s8] =	ssyncset.s32 @!p0 $0xFFFFF086;
	s6 =	sadd.s32 @!p0 s3, s7;
	s7 =	simm.s32 @!p0 $0x108  }
0x21: {  	s3 =	sadd.s32 s3, s9;
	s6 =	sadd.s32 @!p0 $0x88, s6;
	s7 =	simm.s32 @p2 $0x1082  }
0x22: {  	[simem:s7], [sflag:s8] =	dma.local @!p0 [hbm:s6], $0xF7A  }
0x23: {  	s9 =	sor.u32 $0xD0000000, s2;
	s6 =	simm.s32 $0x108;
	_ =	swait.ge @!p0 [sflag:s8], $0x0  }
0x24: {  	s3 =	sadd.s32 $0x88, s3;
	s6 =	simm.s32 @!p1 $0x1082;
	[sflag:s4] =	ssyncset.s32 $0xFFFFF086  }
0x25: {  	[simem:s6], [sflag:s4] =	dma.local [hbm:s3], $0xF7A  }
0x26: {  	[smem:$0x3F9E] =	sst s1;
	(tag) =	ssettag s2;
	_ =	strace s9  }
0x27: {  	s1 =	sld [smem:$0x3FAE]  }
0x28: {  	s2 =	sld [smem:$0x3FAF]  }
0x29: {  	s4 =	sld [smem:$0x3FB1]  }
0x2a: {  	p0 =	seq.s32 s5, $0x0;
	s5 =	sld [smem:$0x3FB2]  }
0x2b: {  	s6 =	sld [smem:$0x3FB3]  }
0x2c: {  	s7 =	sld [smem:$0x3FB4]  }
0x2d: {  	s3 =	simm.s32 $0x108;
	s8 =	sld [smem:$0x3FB5]  }
0x2e: {  	s3 =	simm.s32 @!p0 $0x1082;
	s9 =	sld [smem:$0x3FB6]  }
0x2f: {  	lr =	sadd.s32 s0, s3;
	s0 =	sld [smem:$0x3FAD]  }
0x30: {  	s3 =	sld [smem:$0x3FB0]  }
0x31: {  	[smem:$0x3FB9] =	sst s10  }
0x32: {  	s10 =	sld [smem:$0x3FB7];
	_ =	sdelay $0x3  }
0x33: {  	p0 =	seq.s32 s10, $0x1;
	s10 =	sld [smem:$0x3FB9];
	_ =	sdelay $0x3  }
0x34: {  	[smem:$0x3FB9] =	sst s10  }
0x35: {  	s10 =	sld [smem:$0x3FB8];
	_ =	sdelay $0x3  }
0x36: {  	p1 =	seq.s32 s10, $0x1;
	s10 =	sld [smem:$0x3FB9];
	_ =	sdelay $0x3  }
0x37: {  	[smem:$0x3FB9] =	sst s10  }
0x38: {  	s10 =	sld [smem:$0x3FBA]  }
0x39: {  	_ = 	snop;
	(pc) =	sbr.ind lr, $3  }
0x3a: {  	_ = 	snop  }
0x3b: {  	_ = 	snop  }
0x3c: {  	p2 =	seq.s32 s10, $0x1;
	s10 =	sld [smem:$0x3FB9]  }
0x3d: {  	_ =	shalt  }
0x3e: {  	_ =	shalt  }
0x3f: {  	_ =	shalt  }
0x40: {  	_ =	shalt  }
0x41: {  	_ =	shalt  }
0x42: {  	_ =	shalt  }
0x43: {  	_ =	shalt  }
0x44: {  	_ =	shalt  }
0x45: {  	_ =	shalt  }
0x46: {  	_ =	shalt  }
0x47: {  	_ =	shalt  }
0x48: {  	_ =	shalt  }
0x49: {  	_ =	shalt  }
0x4a: {  	_ =	shalt  }
0x4b: {  	_ =	shalt  }
0x4c: {  	_ =	shalt  }
0x4d: {  	_ =	shalt  }
0x4e: {  	_ =	shalt  }
0x4f: {  	_ =	shalt  }
0x50: {  	_ =	shalt  }
0x51: {  	_ =	shalt  }
0x52: {  	_ =	shalt  }
0x53: {  	_ =	shalt  }
0x54: {  	_ =	shalt  }
0x55: {  	_ =	shalt  }
0x56: {  	_ =	shalt  }
0x57: {  	_ =	shalt  }
0x58: {  	_ =	shalt  }
0x59: {  	_ =	shalt  }
0x5a: {  	_ =	shalt  }
0x5b: {  	_ =	shalt  }
0x5c: {  	_ =	shalt  }
0x5d: {  	_ =	shalt  }
0x5e: {  	_ =	shalt  }
0x5f: {  	_ =	shalt  }
0x60: {  	_ =	shalt  }
0x61: {  	_ =	shalt  }
0x62: {  	_ =	shalt  }
0x63: {  	_ =	shalt  }
0x64: {  	_ =	shalt  }
0x65: {  	_ =	shalt  }
0x66: {  	_ =	shalt  }
0x67: {  	_ =	shalt  }
0x68: {  	_ =	shalt  }
0x69: {  	_ =	shalt  }
0x6a: {  	_ =	shalt  }
0x6b: {  	_ =	shalt  }
0x6c: {  	_ =	shalt  }
0x6d: {  	_ =	shalt  }
0x6e: {  	_ =	shalt  }
0x6f: {  	_ =	shalt  }
0x70: {  	_ =	shalt  }
0x71: {  	_ =	shalt  }
0x72: {  	_ =	shalt  }
0x73: {  	_ =	shalt  }
0x74: {  	_ =	shalt  }
0x75: {  	_ =	shalt  }
0x76: {  	_ =	shalt  }
0x77: {  	_ =	shalt  }
0x78: {  	_ =	shalt  }
0x79: {  	_ =	shalt  }
0x7a: {  	_ =	shalt  }
0x7b: {  	_ =	shalt  }
0x7c: {  	_ =	shalt  }
0x7d: {  	_ =	shalt  }
0x7e: {  	_ =	shalt  }
0x7f: {  	_ =	shalt  }
0x80: {  	_ =	shalt  }
0x81: {  	_ =	shalt  }
0x82: {  	_ =	shalt  }
0x83: {  	_ =	shalt  }
0x84: {  	_ =	shalt  }
0x85: {  	_ =	shalt  }
0x86: {  	_ =	shalt  }
0x87: {  	_ =	shalt  }
.Lfunc_end0:
.L_simem_size_0:
called_computation_lowered:
.L_overlay_start_0:
0x88: {  	s2 =	sld [smem:$0x3FD9]  }
0x89: {  	s3 =	sld [smem:$0x3FFE];
	_ =	sdelay $0x1  }
0x8a: {  	s1 =	srdreg.scid  }
0x8b: {  	s0 =	sand.u32 $0x1, s1  }
0x8c: {  	s16 =	sshll.u32 s0, $0xA;
	s2 =	sadd.s32 s3, s2  }
0x8d: {  	s2 =	sadd.s32 s2, s16  }
0x8e: {  	[smem:$0x3FC5] =	sst s2  }
0x8f: {  	_ = 	snop  }
0x90: {  	(tm) =	ssettm $0x1  }
0x91: {  	s17 =	sld [smem:$0x3FFB];
	_ =	sdelay $0x3  }
0x92: {  	_ =	strace s17  }
0x93: {  	s2 =	sld [smem:$0x3FFC];
	_ =	sdelay $0x3  }
0x94: {  	_ =	strace s2  }
0x95: {  	s2 =	sld [smem:$0x3FFD];
	_ =	sdelay $0x3  }
0x96: {  	_ =	strace s2  }
0x97: {  	_ =	strace $0x8FFFFFFF  }
0x98: {  	s18 =	sld [smem:$0x3FDB];
	_ =	sdelay $0x1  }
0x99: {  	s19 =	simm.s32 $_scs_section_size  }
0x9a: {  	s4 =	simm.s32 $_size__tile_overlayer_lowered;
	s5 =	simm.s32 $_tile_overlayer_lowered  }
0x9b: {  	s22 =	simm.s32 $0x1BFF;
	s21 =	sshll.u32 s5, $0x1;
	s2 =	sadd.s32 s19, s18  }
0x9c: {  	s6 =	simm.s32 $0x0;
	s20 =	sshll.u32 s4, $0x1;
	s4 =	sadd.s32 s21, s2  }
0x9d: {  	[timem:s6], [sflag:s22] =	dma.local [hbm:s4], s20  }
0x9e: {  	_ =	swait.ge [sflag:s22], s20  }
0x9f: {  	s3 =	ssub.s32 $0x0, s20;
	[sflag:s22] =	ssyncset.done $0x0  }
0xa0: {  	[sflag:s22] =	ssyncadd.s32 s3;
	_ =	sdelay $0x1  }
0xa1: {  	s23 =	simm.s32 $0x1B8B  }
0xa2: {  	_ =	swait.ge [sflag:s23], $0x1  }
0xa3: {  	[sflag:s23] =	ssyncset.done $0x0  }
0xa4: {  	s25 =	simm.s32 $0x1B8E;
	s24 =	sld [smem:$0x3FFE];
	[sflag:s23] =	ssyncadd.s32 $0xFFFFFFFF  }
0xa5: {  	s26 =	simm.s32 $execute0_lowered;
	[smem:$0x3FD2] =	sst s25  }
0xa6: {  	s4 =	sshll.u32 s26, $0x1;
	_ =	strace $0x80000046;
	[dreg:$0x1] =	wrdreg $0xFFFFFFFF  }
0xa7: {  	s28 =	simm.s32 $_size_execute0_lowered;
	s2 =	sadd.s32 s2, s4;
	[dreg:$0x0] =	wrdreg $0x0  }
0xa8: {  	s4 =	sshll.u32 s28, $0x1;
	[dreg:$0x2] =	wrdreg s2  }
0xa9: {  	[dreg:$0x3] =	wrdreg s4  }
0xaa: {  	[dreg:$0x4] =	wrdreg $0xC0  }
0xab: {  	_ =	task [dreg:s6], $0x5FFFF  }
0xac: {  	[dreg:$0x1] =	wrdreg $0xFFFFFFFF  }
0xad: {  	[dreg:$0x0] =	wrdreg $0x60  }
0xae: {  	[dreg:$0x2] =	wrdreg s24  }
0xaf: {  	[dreg:$0x3] =	wrdreg $0x9  }
0xb0: {  	_ =	task.clear_ibuf [dreg:s6], $0x4FFFF;
	_ =	strace $0x90000046  }
0xb1: {  	s29 =	simm.s32 $0x9;
	_ =	strace $0x80000048  }
0xb2: {  	_ =	swait.ge [sflag:s29], $0x1  }
0xb3: {  	[sflag:s29] =	ssyncadd.s32 $0xFFFFFFFF  }
0xb4: {  	_ =	strace $0x90000048  }
0xb5: {  	_ =	sfence  }
0xb6: {  	s30 =	sld [smem:$0x0];
	_ =	sdelay $0x2  }
0xb7: {  	s31 =	sshll.u32 s1, $0xD;
	s1 =	sshrl.u32 s1, $0x2  }
0xb8: {  	s3 =	sand.u32 $0x4000, s31;
	s1 =	sadd.s32 s1, s30  }
0xb9: {  	s0 =	sor.u32 s3, s0;
	s1 =	sshll.u32 s1, $0x11  }
0xba: {  	s0 =	sor.u32 s1, s0  }
0xbb: {  	s0 =	sadd.s32 $0x8F2B, s0  }
0xbc: {  	[sflag:s0] =	ssyncadd.remote.s32 $0x1  }
0xbd: {  	_ =	sfence.sel $0xFFFF  }
0xbe: {  	[dreg:$0x0] =	wrdreg $0xFFFFFFFF;
	(pc) =	sbr.abs _section_cstart, $3  }
0xbf: {  	[dreg:$0x1] =	wrdreg $0xFFFFFFFF  }
0xc0: {  	_ =	task.clear_ibuf [dreg:s6], $0x2FFFF;
	_ =	strace $0x9FFFFFFF  }
0xc1: {  	(tm) =	ssettm $0x7FFFFFFF  }
tec
execute0_lowered:
.L_overlay_start_1:
0x0: {  	(tag) =	ssettag $0x1  }
0x1: {  	s1 =	stileid.u32  }
0x2: {  	p0 =	sgt.u32 s1, $0xB  }
.Ltmp0:
0x3: {  	_ = 	snop;
	(pc) =	sbr.rel @p0 .LBB2_19-.Ltmp0, $4  }
0x4: {  	_ = 	snop  }
0x5: {  	s4 =	rddreg [dreg:$0x0];
	s2 =	simm.s32 $0x0  }
0x6: {  	[smem:$0x7FF] =	sst s2  }
0x7: {  	s0 =	rddreg [dreg:$0x1];
	_ =	strace $0x80000047  }
0x8: {  	s3 =	srdreg.scid  }
0x9: {  	s21 =	sshll.u32 s1, $0x1;
	s7 =	sand.u32 $0x1, s3  }
0xa: {  	s6 =	sor.u32 s7, s21  }
0xb: {  	s11 =	sadd.s32 $0x5200, s4;
	s3 =	smul.u32 $0x56, s6  }
0xc: {  	s14 =	simm.s32 $0x400;
	s15 =	simm.s32 $0x4E80;
	s29 =	ssub.s32 $0x2, s7  }
0xd: {  	s28 =	smulhi.u32 $0x55555556, s6;
	s31 =	sshrl.u32 s29, $0x1;
	s5 =	sshrl.u32 s3, $0xB  }
0xe: {  	s8 =	sshrl.u32 s3, $0x1;
	s10 =	sshrl.u32 s3, $0x8;
	s9 =	smul.u32 $0x27400, s5  }
0xf: {  	s8 =	sand.u32 $0x380, s8;
	s5 =	sshll.u32 s5, $0xA;
	s23 =	smul.u32 $0x3, s10  }
0x10: {  	s3 =	sadd.s32 $0x18C00, s4;
	s26 =	smul.u32 $0x13A00, s10;
	s5 =	sor.u32 s8, s5  }
0x11: {  	s7 =	smul.u32 $0x14000, s10;
	s9 =	sor.u32 s8, s9;
	s5 =	sshrl.u32 s5, $0x3  }
0x12: {  	s24 =	ssub.s32 s6, s23;
	s22 =	sshrl.u32 s9, $0x3;
	s25 =	sadd.s32 s5, s4  }
0x13: {  	s16 =	sand.u32 $0xFF, s24;
	s9 =	ssub.s32 s29, s31;
	s12 =	sadd.s32 s22, s4  }
.Ltmp1:
0x14: {  	s4 =	sshll.u32 s16, $0x7;
	s6 =	sadd.s32 $0x2CC00, s25;
	(pc) =	sbr.rel .LBB2_2-.Ltmp1, $4  }
0x15: {  	s5 =	sadd.s32 $0x200, s12;
	s30 =	sor.u32 s4, s26;
	s12 =	smul.u32 $0x14000, s28  }
0x16: {  	s9 =	smax.u32 s9, $0x1;
	p0 =	sne.s32 s16, $0x0;
	s13 =	sshrl.u32 s30, $0x3  }
0x17: {  	s16 =	simm.s32 $0x0;
	s8 =	sadd.s32 s11, s13;
	s10 =	sadd.s32 s4, s12  }
0x18: {  	v0 =	vimm.s32 $0x0;
	s11 =	simm.s32 $0x80;
	s12 =	simm.s32 $0x200;
	s13 =	simm.s32 $0x1  }
.LBB2_17:
0x19: {  	s17 =	sadd.s32 s3, s21;
	[sflag:s13] =	ssyncadd.s32 @p1 $0xFFFFFFF8  }
0x1a: {  	[hbm4b:s17+s2] =	stream.linear.scatter [tilespmem:s18], [sflag:$0x1], $0x8, $0x38;
	[tilespmem:$0xEC00] =	vst v63  }
0x1b: {  	_ =	swait.ge [sflag:s13], $0x8  }
0x1c: {  	[sflag:s13] =	ssyncset.done $0x0  }
0x1d: {  	[sflag:s13] =	ssyncadd.s32 $0xFFFFFFF8  }
.LBB2_18:
0x1e: {  	s16 =	sadd.s32 $0x1, s16  }
0x1f: {  	p1 =	sne.s32 s16, s9  }
.Ltmp2:
0x20: {  	_ = 	snop;
	(pc) =	sbr.rel @!p1 .LBB2_19-.Ltmp2, $1  }
0x21: {  	_ =	sdelay $0x3  }
.LBB2_2:
0x22: {  	s17 =	simm.s32 $0x0  }
0x23: {  	[tilespmem:s17], [sflag:$0x1] =	stream.strided.gather [hbm4b:s8+s11], $0x4E80, s12, s11, $0x38;
	[tilespmem:$0xEC00] =	vst v63  }
0x24: {  	_ =	swait.ge [sflag:s13], $0x4E80  }
0x25: {  	[sflag:s13] =	ssyncset.done $0x0  }
0x26: {  	[sflag:s13] =	ssyncadd.s32 $0xFFFFB180  }
0x27: {  	[tilespmem:s15], [sflag:$0x1] =	stream.strided.gather [hbm4b:s5+s11], $0x4E80, s14, s11, $0x38;
	[tilespmem:$0xEC00] =	vst v63  }
0x28: {  	_ =	swait.ge [sflag:s13], $0x4E80  }
0x29: {  	[sflag:s13] =	ssyncset.done $0x0  }
0x2a: {  	s18 =	simm.s32 $0x0;
	[sflag:s13] =	ssyncadd.s32 $0xFFFFB180  }
0x2b: {  	v1 =	vld [tilespmem:s18+$0x4E80];
	_ =	sdelay $0x4  }
0x2c: {  	vm0 =	vne.s32 v1, $0x0  }
0x2d: {  	v1 =	vsel vm0, $0x1, v0  }
0x2e: {  	(xrf0) =	vadd.scan.msk.s32 $0xffff, v1;
	_ =	sdelay $0x2  }
0x2f: {  	v1 =	vld [tilespmem:s18+$0x0];
	_ =	sdelay $0x2  }
0x30: {  	v2, _, _ =	vpop (xrf0)  }
0x31: {  	(v2sf) =	vpush v2, $0xF  }
0x32: {  	s19 =	simm.s32 $0x10;
	s18 =	simm.s32 $0x80;
	[tilespmem:s17+$0x9D00] =	vst.msk vm0, v1  }
.LBB2_3:
0x33: {  	p1 =	sne.s32 s18, $0x13840;
	v1 =	vld [tilespmem:s19+$0x4E80];
	_ =	sdelay $0x4  }
0x34: {  	vm0 =	vne.s32 v1, $0x0  }
0x35: {  	v1 =	vsel vm0, $0x1, v0  }
0x36: {  	(xrf0) =	vadd.scan.msk.s32 $0xffff, v1;
	_ =	sdelay $0x2  }
0x37: {  	v1 =	vld [tilespmem:s19+$0x0]  }
.Ltmp3:
0x38: {  	(pc) =	sbr.rel @p1 .LBB2_3-.Ltmp3, $4  }
0x39: {  	_ = 	snop  }
0x3a: {  	v2, _, _ =	vpop (xrf0);
	s19 =	spop (v2sf)  }
0x3b: {  	(v2sf) =	vpush v2, $0xF;
	s17 =	sadd.s32 s17, s19  }
0x3c: {  	s19 =	sshra.s32 s18, $0x2;
	s18 =	sadd.s32 $0x40, s18;
	[tilespmem:s17+$0x9D00] =	vst.msk vm0, v1  }
0x3d: {  	v1 =	vld [tilespmem:s19+$0x4E80];
	_ =	sdelay $0x4  }
0x3e: {  	vm0 =	vne.s32 v1, $0x0  }
0x3f: {  	v1 =	vsel vm0, $0x1, v0  }
0x40: {  	(xrf0) =	vadd.scan.msk.s32 $0xffff, v1;
	_ =	sdelay $0x5  }
0x41: {  	v1, _, _ =	vpop (xrf0)  }
0x42: {  	(v2sf) =	vpush v1, $0xF;
	_ =	sdelay $0xb  }
0x43: {  	v1 =	vld [tilespmem:s19+$0x0];
	_ =	sdelay $0x1  }
0x44: {  	s18 =	spop (v2sf)  }
0x45: {  	s18 =	sadd.s32 s17, s18;
	s28 =	spop (v2sf)  }
0x46: {  	s17 =	sadd.s32 s18, s28  }
0x47: {  	s19 =	simm.s32 @!p0 $0xEB80;
	[tilespmem:s18+$0x9D00] =	vst.msk vm0, v1;
	s18 =	simm.s32 @!p0 $0x0;
	v1 =	vmov @!p0 s17;
	s29 =	sand.u32 $0x1FF, s17  }
0x48: {  	s30 =	sshra.s32 s17, $0x1F;
	p1 =	slt.s32 s17, $0x1;
	[tilespmem:$0xEB80] =	vst @!p0 v1;
	p2 =	sne.s32 s29, $0x0  }
0x49: {  	[hbm4b:s6+s18] =	stream.linear.scatter @!p0 [tilespmem:s19], [sflag:$0x1], $0x80, $0x38;
	[tilespmem:$0xEC00] =	vst v63  }
0x4a: {  	s31 =	sshrl.u32 s30, $0x17;
	p1 =	por !p1, !p2  }
0x4b: {  	s18 =	sadd.s32 s31, s17;
	s19 =	simm.s32 $0x1;
	p1 =	por !p1, !p1  }
0x4c: {  	s18 =	sshra.s32 s18, $0x9;
	s19 =	simm.s32 @!p1 $0x0  }
0x4d: {  	s19 =	ssub.s32 s18, s19  }
0x4e: {  	p1 =	slt.s32 s19, $0x1  }
.Ltmp4:
0x4f: {  	_ = 	snop;
	(pc) =	sbr.rel @p1 .LBB2_8-.Ltmp4, $4  }
0x50: {  	s20 =	simm.s32 @!p0 $0x1  }
0x51: {  	_ =	swait.ge @!p0 [sflag:s20], $0x80  }
0x52: {  	[sflag:s20] =	ssyncset.done @!p0 $0x0  }
0x53: {  	[sflag:s20] =	ssyncadd.s32 @!p0 $0xFFFFFF80;
	s18 =	simm.s32 $0x9D00  }
0x54: {  	p1 =	sne.s32 s19, $0x1  }
.Ltmp5:
0x55: {  	_ = 	snop;
	(pc) =	sbr.rel @!p1 .LBB2_7-.Ltmp5, $4  }
0x56: {  	s20 =	sshrl.u32 s10, $0x3  }
0x57: {  	s20 =	sadd.s32 s3, s20  }
0x58: {  	[hbm4b:s20+s11] =	stream.strided.scatter [tilespmem:s18], [sflag:$0x1], $0x200, s12, s11, $0x38;
	[tilespmem:$0xEC00] =	vst v63  }
0x59: {  	s21 =	sadd.s32 $0x800, s10;
	s20 =	sadd.s32 $0xFFFFFFFF, s19;
	_ =	swait.ge [sflag:s13], $0x200  }
.LBB2_6:
0x5a: {  	s22 =	sshrl.u32 s21, $0x3  }
0x5b: {  	[sflag:s13] =	ssyncset.done $0x0;
	s18 =	sadd.s32 $0x200, s18;
	p1 =	sne.s32 s20, $0x1  }
.Ltmp6:
0x5c: {  	s22 =	sadd.s32 s3, s22;
	[sflag:s13] =	ssyncadd.s32 $0xFFFFFE00;
	(pc) =	sbr.rel @p1 .LBB2_6-.Ltmp6, $3  }
0x5d: {  	[hbm4b:s22+s11] =	stream.strided.scatter [tilespmem:s18], [sflag:$0x1], $0x200, s12, s11, $0x38;
	[tilespmem:$0xEC00] =	vst v63  }
0x5e: {  	s20 =	sadd.s32 $0xFFFFFFFF, s20;
	_ =	sdelay $0x1  }
0x5f: {  	s21 =	sadd.s32 $0x800, s21;
	_ =	swait.ge [sflag:s13], $0x200  }
.LBB2_7:
0x60: {  	[sflag:s13] =	ssyncset.done $0x0  }
0x61: {  	[sflag:s13] =	ssyncadd.s32 $0xFFFFFE00  }
.LBB2_8:
0x62: {  	s20 =	sshll.u32 s19, $0x9  }
0x63: {  	s21 =	simm.s32 $0x1;
	s18 =	ssub.s32 s17, s20;
	p1 =	sne.s32 s17, s20  }
0x64: {  	s22 =	sshra.s32 s18, $0x1F;
	s21 =	simm.s32 @!p1 $0x0  }
0x65: {  	s23 =	sand.u32 $0x3F, s17;
	s21 =	sor.u32 s21, s22  }
0x66: {  	p2 =	sne.s32 s23, $0x0;
	p6 =	sne.s32 s21, $0x1  }
0x67: {  	s31 =	sshrl.u32 s22, $0x1A;
	p1 =	por !p2, !p6  }
0x68: {  	s18 =	sadd.s32 s31, s18;
	s21 =	simm.s32 $0x1;
	p1 =	por !p1, !p1  }
0x69: {  	s18 =	sshra.s32 s18, $0x6;
	s21 =	simm.s32 @!p1 $0x0  }
0x6a: {  	s18 =	ssub.s32 s18, s21  }
0x6b: {  	p1 =	slt.s32 s18, $0x1  }
.Ltmp7:
0x6c: {  	_ = 	snop;
	(pc) =	sbr.rel @p1 .LBB2_13-.Ltmp7, $2  }
0x6d: {  	_ =	sdelay $0x2  }
0x6e: {  	s19 =	sshll.u32 s19, $0xB  }
0x6f: {  	p2 =	sne.s32 s18, $0x1  }
.Ltmp8:
0x70: {  	s21 =	simm.s32 $0x0;
	s22 =	sand.u32 $0xFFFFFE00, s19;
	(pc) =	sbr.rel @!p2 .LBB2_12-.Ltmp8, $4  }
0x71: {  	s22 =	sadd.s32 s7, s22;
	s21 =	sand.u32 $0x40, s21  }
0x72: {  	s31 =	sshra.s32 s19, $0x2;
	s21 =	sor.u32 s21, s22  }
0x73: {  	s23 =	sadd.s32 $0x100, s19;
	s24 =	sadd.s32 $0xFFFFFFFF, s18;
	s21 =	sor.u32 s4, s21  }
0x74: {  	p1 =	por $0x0, $0x0;
	s22 =	sadd.s32 $0x9D00, s31;
	s25 =	sshrl.u32 s21, $0x3  }
0x75: {  	s21 =	sadd.s32 s3, s25;
	p2 =	sne.s32 s24, $0x1  }
0x76: {  	[hbm4b:s21+s2] =	stream.linear.scatter [tilespmem:s22], [sflag:$0x1], $0x40, $0x38;
	[tilespmem:$0xEC00] =	vst v63  }
.Ltmp9:
0x77: {  	s29 =	sand.u32 $0xFFFFFE00, s23;
	s21 =	simm.s32 $0x40;
	(pc) =	sbr.rel @!p2 .LBB2_12-.Ltmp9, $4  }
0x78: {  	s31 =	sshra.s32 s23, $0x2;
	s22 =	sadd.s32 s7, s29;
	s30 =	sand.u32 $0x40, s21  }
0x79: {  	s23 =	sadd.s32 $0x100, s23;
	s24 =	sadd.s32 $0xFFFFFFFF, s24;
	s22 =	sor.u32 s30, s22  }
0x7a: {  	p1 =	por $0x1, $0x1;
	_ =	swait.ge [sflag:s13], $0x40;
	s26 =	sor.u32 s4, s22  }
0x7b: {  	[sflag:s13] =	ssyncset.done $0x0;
	s22 =	sadd.s32 $0x9D00, s31;
	s25 =	sshrl.u32 s26, $0x3  }
.LBB2_11:
0x7c: {  	p2 =	sne.s32 s24, $0x1;
	s25 =	sadd.s32 s3, s25;
	[sflag:s13] =	ssyncadd.s32 $0xFFFFFFC0  }
0x7d: {  	[hbm4b:s25+s2] =	stream.linear.scatter [tilespmem:s22], [sflag:$0x1], $0x40, $0x38;
	[tilespmem:$0xEC00] =	vst v63  }
.Ltmp10:
0x7e: {  	s21 =	sadd.s32 $0x40, s21;
	s22 =	sand.u32 $0xFFFFFE00, s23;
	(pc) =	sbr.rel @p2 .LBB2_11-.Ltmp10, $4  }
0x7f: {  	s25 =	sand.u32 $0x40, s21;
	s22 =	sadd.s32 s7, s22  }
0x80: {  	s22 =	sor.u32 s25, s22;
	s25 =	sshra.s32 s23, $0x2;
	s23 =	sadd.s32 $0x100, s23  }
0x81: {  	s26 =	sor.u32 s4, s22;
	s22 =	sadd.s32 $0x9D00, s25;
	_ =	swait.ge [sflag:s13], $0x40  }
0x82: {  	s24 =	sadd.s32 $0xFFFFFFFF, s24;
	s25 =	sshrl.u32 s26, $0x3;
	[sflag:s13] =	ssyncset.done $0x0  }
.LBB2_12:
0x83: {  	s21 =	sadd.s32 s3, s25;
	[sflag:s13] =	ssyncadd.s32 @p1 $0xFFFFFFC0  }
0x84: {  	[hbm4b:s21+s2] =	stream.linear.scatter [tilespmem:s22], [sflag:$0x1], $0x40, $0x38;
	[tilespmem:$0xEC00] =	vst v63  }
0x85: {  	_ =	swait.ge [sflag:s13], $0x40  }
0x86: {  	[sflag:s13] =	ssyncset.done $0x0  }
0x87: {  	[sflag:s13] =	ssyncadd.s32 $0xFFFFFFC0  }
.LBB2_13:
0x88: {  	s21 =	sshll.u32 s18, $0x6  }
0x89: {  	s20 =	sadd.s32 s20, s21  }
0x8a: {  	s17 =	ssub.s32 s17, s20  }
0x8b: {  	s17 =	sadd.s32 $0x7, s17  }
0x8c: {  	s30 =	sand.u32 $0x7, s17  }
0x8d: {  	s31 =	sshra.s32 s17, $0x1F;
	p2 =	slt.s32 s17, $0x1;
	p1 =	sne.s32 s30, $0x0  }
0x8e: {  	s21 =	sshrl.u32 s31, $0x1D;
	p1 =	por !p2, !p1  }
0x8f: {  	s17 =	sadd.s32 s21, s17;
	s21 =	simm.s32 $0x1;
	p1 =	por !p1, !p1  }
0x90: {  	s17 =	sshra.s32 s17, $0x3;
	s21 =	simm.s32 @!p1 $0x0  }
0x91: {  	s17 =	ssub.s32 s17, s21  }
0x92: {  	p1 =	slt.s32 s17, $0x1  }
.Ltmp11:
0x93: {  	_ = 	snop;
	(pc) =	sbr.rel @p1 .LBB2_18-.Ltmp11, $1  }
0x94: {  	_ =	sdelay $0x3  }
0x95: {  	s18 =	sshll.u32 s18, $0x8  }
0x96: {  	p2 =	sne.s32 s17, $0x1;
	s18 =	sadd.s32 s18, s19  }
.Ltmp12:
0x97: {  	s19 =	sand.u32 $0xFFFFFE00, s18;
	(pc) =	sbr.rel @!p2 .LBB2_17-.Ltmp12, $4  }
0x98: {  	s21 =	sand.u32 $0x78, s20;
	s19 =	sadd.s32 s7, s19  }
0x99: {  	p1 =	por $0x0, $0x0;
	s21 =	sor.u32 s21, s19  }
0x9a: {  	s22 =	sshra.s32 s18, $0x2;
	s19 =	sadd.s32 $0x20, s18;
	s21 =	sor.u32 s4, s21  }
0x9b: {  	s18 =	sadd.s32 $0x9D00, s22;
	s22 =	sadd.s32 $0xFFFFFFFF, s17;
	s21 =	sshrl.u32 s21, $0x3  }
0x9c: {  	s17 =	sadd.s32 s3, s21;
	p2 =	sne.s32 s22, $0x1  }
0x9d: {  	[hbm4b:s17+s2] =	stream.linear.scatter [tilespmem:s18], [sflag:$0x1], $0x8, $0x38;
	[tilespmem:$0xEC00] =	vst v63  }
.Ltmp13:
0x9e: {  	s29 =	sand.u32 $0xFFFFFE00, s19;
	s17 =	sadd.s32 $0x8, s20;
	(pc) =	sbr.rel @!p2 .LBB2_17-.Ltmp13, $4  }
0x9f: {  	s30 =	sshra.s32 s19, $0x2;
	s18 =	sadd.s32 s7, s29;
	s20 =	sand.u32 $0x78, s17  }
0xa0: {  	s19 =	sadd.s32 $0x20, s19;
	p1 =	por $0x1, $0x1;
	s18 =	sor.u32 s20, s18  }
0xa1: {  	_ =	swait.ge [sflag:s13], $0x8;
	s20 =	sadd.s32 $0xFFFFFFFF, s22;
	s31 =	sor.u32 s4, s18  }
0xa2: {  	[sflag:s13] =	ssyncset.done $0x0;
	s18 =	sadd.s32 $0x9D00, s30;
	s21 =	sshrl.u32 s31, $0x3  }
.LBB2_16:
0xa3: {  	p2 =	sne.s32 s20, $0x1;
	s21 =	sadd.s32 s3, s21;
	[sflag:s13] =	ssyncadd.s32 $0xFFFFFFF8  }
0xa4: {  	[hbm4b:s21+s2] =	stream.linear.scatter [tilespmem:s18], [sflag:$0x1], $0x8, $0x38;
	[tilespmem:$0xEC00] =	vst v63  }
.Ltmp14:
0xa5: {  	s17 =	sadd.s32 $0x8, s17;
	s18 =	sand.u32 $0xFFFFFE00, s19;
	(pc) =	sbr.rel @p2 .LBB2_16-.Ltmp14, $4  }
0xa6: {  	s21 =	sand.u32 $0x78, s17;
	s18 =	sadd.s32 s7, s18  }
0xa7: {  	s18 =	sor.u32 s21, s18;
	s21 =	sshra.s32 s19, $0x2;
	s19 =	sadd.s32 $0x20, s19  }
0xa8: {  	s22 =	sor.u32 s4, s18;
	s18 =	sadd.s32 $0x9D00, s21;
	_ =	swait.ge [sflag:s13], $0x8  }
0xa9: {  	s20 =	sadd.s32 $0xFFFFFFFF, s20;
	s21 =	sshrl.u32 s22, $0x3;
	[sflag:s13] =	ssyncset.done $0x0  }
.Ltmp15:
0xaa: {  	_ = 	snop;
	(pc) =	sbr.rel .LBB2_17-.Ltmp15, $1  }
0xab: {  	_ =	sdelay $0x3  }
.LBB2_19:
0xac: {  	_ =	sfence.sel $0x180000  }
0xad: {  	[bflag:$0x0] =	sbarrier.arrive $0xFFFF  }
0xae: {  	p0 =	sne.s32 s1, $0x0;
	_ =	strace $0x90000047  }
0xaf: {  	s0 =	sadd.s32 @!p0 $0x100000, s0;
	[bflag:$0x2] =	sbarrier.arrive $0xFFFF  }
0xb0: {  	[sflag:s0] =	ssyncadd.tile.s32 @!p0 $0x1;
	_ =	shalt  }
.Lfunc_end2:
_tile_overlayer_lowered:
.L_overlay_start_2:
0xb1: {  	(tag) =	ssettag $0x2  }
0xb2: {  	s0 =	rddreg [dreg:$0x0];
	s2 =	stileid.u32  }
0xb3: {  	s1 =	rddreg [dreg:$0x1];
	p0 =	sne.s32 s2, $0x0  }
0xb4: {  	s3 =	rddreg [dreg:$0x2];
	[bflag:$0x3] =	sbarrier.arrive $0xFFFF;
	s2 =	simm.s32 @!p0 $0x1C01  }
0xb5: {  	[timem:s3], [sflag:s2] =	dma.local @!p0 [hbm:s0], s1  }
0xb6: {  	s0 =	simm.s32 @!p0 $0x1  }
0xb7: {  	_ =	swait.ge @!p0 [sflag:s0], s1  }
0xb8: {  	s1 =	ssub.s32 @!p0 $0x0, s1;
	[sflag:s0] =	ssyncset.done @!p0 $0x0  }
0xb9: {  	[sflag:s0] =	ssyncadd.s32 @!p0 s1  }
0xba: {  	[bflag:$0x3] =	sbarrier.arrive $0xFFFF  }
0xbb: {  	_ =	shalt  }

</sc_bundles>
